<compile_context>
chip_gen: v7x
topology: tpu7x:2x2x1
jax: 0.10.2.dev20260603
libtpu: 0.0.44.dev20260713+nightly
codegen_flags: <defaults>
</compile_context>

<pallas_src>
import functools

import jax
import jax.numpy as jnp
from jax import lax
from jax.experimental import pallas as pl
from jax.experimental.pallas import tpu as pltpu
from jax.experimental.pallas import tpu_sc as plsc

N, E, H = 10000, 320000, 128
NC, NS = 2, 16
NW = NC * NS
K = 5
EK = E // K
NBUF = 5

GPW = EK // NW
CHG = 80
NCHG = GPW // CHG
CHS = 40
NCHS = GPW // CHS


@functools.cache
def _mesh():
    return plsc.VectorSubcoreMesh(core_axis_name="c", subcore_axis_name="s",
                                  num_cores=NC, num_subcores=NS)


def _worker_id():
    return lax.axis_index("c") * NS + lax.axis_index("s")


def _gather_body(nodes_hbm, sr_hbm, tok_hbm, gout, idx_all, rows, gsems, wsems):
    del tok_hbm

    wid = _worker_id()
    ebase = wid * GPW

    for k in range(2):
        pltpu.sync_copy(sr_hbm.at[k, wid], idx_all.at[k])

    def chunk_refs(j):
        sel = j // NCHG
        r = j % NCHG
        idx = idx_all.at[sel, r]
        out = gout.at[sel, pl.ds(ebase + r * CHG, CHG)]
        return idx, out

    for b in range(NBUF):
        idx, _ = chunk_refs(b)
        pltpu.async_copy(nodes_hbm.at[idx], rows[b], gsems[b])

    def group(jj, carry):
        for b in range(NBUF):
            j = jj * NBUF + b
            idx, out = chunk_refs(j)
            pltpu.make_async_copy(nodes_hbm.at[idx], rows[b], gsems[b]).wait()
            pltpu.async_copy(rows[b], out, wsems[b])
        for b in range(NBUF):
            j2 = (jj + 1) * NBUF + b
            @pl.when(j2 < 2 * NCHG)
            def _():
                idx2, out2 = chunk_refs(j2)
                pltpu.make_async_copy(rows[b], out2, wsems[b]).wait()
                pltpu.async_copy(nodes_hbm.at[idx2], rows[b], gsems[b])
        return carry

    lax.fori_loop(0, (2 * NCHG) // NBUF, group, 0)

    for b in range(NBUF):
        pltpu.make_async_copy(
            rows[b], gout.at[0, pl.ds(ebase, CHG)], wsems[b]).wait()


@jax.jit
def _gather(nodes, sr3d, tok):
    return pl.kernel(
        _gather_body,
        out_type=jax.ShapeDtypeStruct((2, EK, H), jnp.float32),
        mesh=_mesh(),
        scratch_types=[
            pltpu.VMEM((2, NCHG, CHG), jnp.int32),
            [pltpu.VMEM((CHG, H), jnp.float32) for _ in range(NBUF)],
            [pltpu.SemaphoreType.DMA for _ in range(NBUF)],
            [pltpu.SemaphoreType.DMA for _ in range(NBUF)],
        ],
    )(nodes, sr3d, tok)


def _scatter_body(eout_hbm, recv_hbm, zeros_hbm, acc_out,
                  idx_all, rows, lsems, eff_sh):
    wid = _worker_id()
    c = lax.axis_index("c")
    s = lax.axis_index("s")
    ebase = wid * GPW
    rpw = 624
    tail_off = rpw * NS
    tail = N - tail_off

    pltpu.sync_copy(recv_hbm.at[wid], idx_all)

    pltpu.sync_copy(zeros_hbm.at[pl.ds(s * rpw, rpw)],
                    eff_sh.at[pl.ds(s * rpw, rpw)])
    @pl.when(s == 0)
    def _():
        pltpu.sync_copy(zeros_hbm.at[pl.ds(tail_off, tail)],
                        eff_sh.at[pl.ds(tail_off, tail)])
    plsc.subcore_barrier()

    def load_ref(j):
        return eout_hbm.at[pl.ds(ebase + j * CHS, CHS)]

    for b in range(NBUF):
        pltpu.async_copy(load_ref(b), rows[b], lsems[b])

    def group(jj, carry):
        for b in range(NBUF):
            j = jj * NBUF + b
            pltpu.make_async_copy(load_ref(j), rows[b], lsems[b]).wait()
            pltpu.sync_copy(rows[b], eff_sh.at[idx_all.at[j]], add=True)
            j2 = j + NBUF
            @pl.when(j2 < NCHS)
            def _():
                pltpu.async_copy(load_ref(j2), rows[b], lsems[b])
        return carry

    lax.fori_loop(0, NCHS // NBUF, group, 0)
    plsc.subcore_barrier()

    pltpu.sync_copy(eff_sh.at[pl.ds(s * rpw, rpw)],
                    acc_out.at[c, pl.ds(s * rpw, rpw)])
    @pl.when(s == 0)
    def _():
        pltpu.sync_copy(eff_sh.at[pl.ds(tail_off, tail)],
                        acc_out.at[c, pl.ds(tail_off, tail)])


@jax.jit
def _scatter(eout_chunk, recv3d, zeros):
    return pl.kernel(
        _scatter_body,
        out_type=jax.ShapeDtypeStruct((NC, N, H), jnp.float32),
        mesh=_mesh(),
        scratch_types=[
            pltpu.VMEM((NCHS, CHS), jnp.int32),
            [pltpu.VMEM((CHS, H), jnp.float32) for _ in range(NBUF)],
            [pltpu.SemaphoreType.DMA for _ in range(NBUF)],
            pltpu.VMEM_SHARED((N, H), jnp.float32),
        ],
    )(eout_chunk, recv3d, zeros)


def _edge_mlp_body(gath_src, gath_dst, edg_ref, wa_ref, wb_ref,
                   wc_ref, b1_ref, w2_ref, b2_ref, w3_ref, b3_ref, g_ref,
                   bg_ref, big_out, chunk_out):
    f32 = jnp.float32
    bf = lambda x: x.astype(jnp.bfloat16)
    h = jnp.dot(bf(gath_dst[0]), bf(wa_ref[...]), preferred_element_type=f32)
    h += jnp.dot(bf(gath_src[0]), bf(wb_ref[...]), preferred_element_type=f32)
    h += jnp.dot(bf(edg_ref[...]), bf(wc_ref[...]), preferred_element_type=f32)
    h = jnp.maximum(h + b1_ref[...], 0.0)
    h = jnp.maximum(
        jnp.dot(bf(h), bf(w2_ref[...]), preferred_element_type=f32)
        + b2_ref[...], 0.0)
    h = jnp.dot(bf(h), bf(w3_ref[...]), preferred_element_type=f32) + b3_ref[...]
    mu = jnp.mean(h, axis=-1, keepdims=True)
    d = h - mu
    var = jnp.mean(d * d, axis=-1, keepdims=True)
    out = d * lax.rsqrt(var + 1e-5) * g_ref[...] + bg_ref[...]
    big_out[...] = out
    chunk_out[...] = out


BE = 6400
BPC = EK // BE


def _edge_mlp(k, big, gath, edg, wa, wb, wc, b1, w2, b2, w3, b3, g, bg):
    src_spec = pl.BlockSpec((1, BE, H), lambda i: (0, i, 0))
    dst_spec = pl.BlockSpec((1, BE, H), lambda i: (1, i, 0))
    edg_spec = pl.BlockSpec((BE, H), lambda i, _k=k: (_k * BPC + i, 0))
    big_spec = pl.BlockSpec(memory_space=pltpu.MemorySpace.HBM)
    w_spec = pl.BlockSpec((H, H), lambda i: (0, 0))
    v_spec = pl.BlockSpec((1, H), lambda i: (0, 0))
    body = _edge_mlp_body
    in_specs = [src_spec, dst_spec, edg_spec,
                w_spec, w_spec, w_spec, v_spec,
                w_spec, v_spec, w_spec, v_spec, v_spec, v_spec]
    args = (gath, gath, edg, wa, wb, wc, b1, w2, b2, w3, b3, g, bg)
    aliases = {}
    if k > 0:
        body = lambda big_ref, *rest: _edge_mlp_body(*rest)
        in_specs = [big_spec] + in_specs
        args = (big,) + args
        aliases = {0: 0}
    return pl.pallas_call(
        body,
        grid=(BPC,),
        in_specs=in_specs,
        out_specs=[pl.BlockSpec((BE, H), lambda i, _k=k: (_k * BPC + i, 0)),
                   pl.BlockSpec((BE, H), lambda i: (i, 0))],
        out_shape=[jax.ShapeDtypeStruct((E, H), jnp.float32),
                   jax.ShapeDtypeStruct((EK, H), jnp.float32)],
        input_output_aliases=aliases,
    )(*args)


def _node_mlp_body(nod_ref, a0, a1, a2, a3, a4, wa_ref, wb_ref,
                   b1_ref, w2_ref, b2_ref, w3_ref, b3_ref, g_ref, bg_ref,
                   out_ref):
    f32 = jnp.float32
    eff = a0[0] + a0[1]
    for a in (a1, a2, a3, a4):
        eff += a[0] + a[1]
    h = jnp.dot(nod_ref[...], wa_ref[...], preferred_element_type=f32)
    h += jnp.dot(eff, wb_ref[...], preferred_element_type=f32)
    h = jnp.maximum(h + b1_ref[...], 0.0)
    h = jnp.maximum(
        jnp.dot(h, w2_ref[...], preferred_element_type=f32) + b2_ref[...], 0.0)
    h = jnp.dot(h, w3_ref[...], preferred_element_type=f32) + b3_ref[...]
    mu = jnp.mean(h, axis=-1, keepdims=True)
    d = h - mu
    var = jnp.mean(d * d, axis=-1, keepdims=True)
    out_ref[...] = d * lax.rsqrt(var + 1e-5) * g_ref[...] + bg_ref[...]


BN = 1000


def _node_mlp(nodes, accs, wa, wb, b1, w2, b2, w3, b3, g, bg):
    row_spec = pl.BlockSpec((BN, H), lambda i: (i, 0))
    acc_spec = pl.BlockSpec((NC, BN, H), lambda i: (0, i, 0))
    w_spec = pl.BlockSpec((H, H), lambda i: (0, 0))
    v_spec = pl.BlockSpec((1, H), lambda i: (0, 0))
    return pl.pallas_call(
        _node_mlp_body,
        grid=(N // BN,),
        in_specs=[row_spec] + [acc_spec] * K +
                 [w_spec, w_spec, v_spec,
                  w_spec, v_spec, w_spec, v_spec, v_spec, v_spec],
        out_specs=row_spec,
        out_shape=jax.ShapeDtypeStruct((N, H), jnp.float32),
    )(nodes, *accs, wa, wb, b1, w2, b2, w3, b3, g, bg)


def kernel(nodes, edges, senders, receivers, We1, be1, We2, be2, We3, be3,
           ge, bge, Wn1, bn1, Wn2, bn2, Wn3, bn3, gn, bgn):
    senders = senders.astype(jnp.int32)
    receivers = receivers.astype(jnp.int32)
    r1 = lambda v: v.reshape(1, H)

    sr = jnp.stack([senders, receivers]).reshape(2, K, NW, NCHG, CHG)
    recv4 = receivers.reshape(K, NW, NCHS, CHS)
    zeros = jnp.zeros((N, H), jnp.float32)
    big = None

    accs = []
    eouts = []
    for k in range(K):
        tok = eouts[k - 2] if k >= 2 else senders
        gath = _gather(nodes, sr[:, k], tok)
        big, eout_chunk = _edge_mlp(
            k, big, gath, edges,
            We1[:H], We1[H:2 * H], We1[2 * H:], r1(be1),
            We2, r1(be2), We3, r1(be3), r1(ge), r1(bge))
        eouts.append(eout_chunk)
        accs.append(_scatter(eout_chunk, recv4[k], zeros))

    nodes_out = _node_mlp(
        nodes, accs,
        Wn1[:H], Wn1[H:], r1(bn1),
        Wn2, r1(bn2), Wn3, r1(bn3), r1(gn), r1(bgn))
    return (nodes_out, big)

# --- scband reference (transcript-rebuilt; emitter-appended) ---
"""Pipeline reference for scband-message-passing-49830210568742 (READ-ONLY COPY).

The authoritative reference and input builder live on the scoring server;
editing this copy changes nothing except your own understanding.
"""

import jax, jax.numpy as jnp
import numpy as np

N, E, H = 10000, 320000, 128

def layer_norm(x, g, b):
    mu = jnp.mean(x, axis=-1, keepdims=True)
    var = jnp.var(x, axis=-1, keepdims=True)
    return (x - mu) / jnp.sqrt(var + 1e-5) * g + b

def _mlp(x, W1, b1, W2, b2, W3, b3, g, bln):
    h = jax.nn.relu(x @ W1 + b1)
    h = jax.nn.relu(h @ W2 + b2)
    h = h @ W3 + b3
    return layer_norm(h, g, bln)

def setup_inputs(seed: int = 0):
    key = jax.random.key(seed)
    ks = jax.random.split(key, 20)
    nodes = jax.random.normal(ks[0], (N, H), jnp.float32)
    edges = jax.random.normal(ks[1], (E, H), jnp.float32)
    senders = jax.random.randint(ks[2], (E,), 0, N, jnp.int64 if jax.config.jax_enable_x64 else jnp.int32)
    receivers = jax.random.randint(ks[3], (E,), 0, N, jnp.int64 if jax.config.jax_enable_x64 else jnp.int32)
    def lin(k, fan_in, fan_out):
        s = 1.0 / np.sqrt(fan_in)
        kw, kb = jax.random.split(k)
        W = jax.random.uniform(kw, (fan_in, fan_out), jnp.float32, -s, s)
        b = jax.random.uniform(kb, (fan_out,), jnp.float32, -s, s)
        return W, b
    We1, be1 = lin(ks[4], 3 * H, H)
    We2, be2 = lin(ks[5], H, H)
    We3, be3 = lin(ks[6], H, H)
    ge, bge = jnp.ones((H,), jnp.float32), jnp.zeros((H,), jnp.float32)
    Wn1, bn1 = lin(ks[7], 2 * H, H)
    Wn2, bn2 = lin(ks[8], H, H)
    Wn3, bn3 = lin(ks[9], H, H)
    gn, bgn = jnp.ones((H,), jnp.float32), jnp.zeros((H,), jnp.float32)
    return {"nodes": nodes, "edges": edges, "senders": senders, "receivers": receivers,
            "We1": We1, "be1": be1, "We2": We2, "be2": be2, "We3": We3, "be3": be3, "ge": ge, "bge": bge,
            "Wn1": Wn1, "bn1": bn1, "Wn2": Wn2, "bn2": bn2, "Wn3": Wn3, "bn3": bn3, "gn": gn, "bgn": bgn}

def reference(nodes, edges, senders, receivers, We1, be1, We2, be2, We3, be3, ge, bge,
              Wn1, bn1, Wn2, bn2, Wn3, bn3, gn, bgn):
    src_nodes = jnp.take(nodes, senders, axis=0)
    dst_nodes = jnp.take(nodes, receivers, axis=0)
    e_in = jnp.concatenate([dst_nodes, src_nodes, edges], axis=1)
    edges_out = _mlp(e_in, We1, be1, We2, be2, We3, be3, ge, bge)
    effects = jnp.zeros_like(nodes).at[receivers].add(edges_out)
    n_in = jnp.concatenate([nodes, effects], axis=1)
    nodes_out = _mlp(n_in, Wn1, bn1, Wn2, bn2, Wn3, bn3, gn, bgn)
    return (nodes_out, edges_out)

if __name__ == "__main__":
    import jax
    _d = setup_inputs()
    print(jax.jit(kernel)(*tuple(_d.values())))

</pallas_src>

<mosaic_0001>
#map = affine_map<(d0, d1) -> (0, 0)>
#map1 = affine_map<(d0, d1) -> (0, 0, 0, 0)>
#map2 = affine_map<(d0, d1) -> (0)>
#map3 = affine_map<(d0, d1) -> (0, 0, 0)>
module attributes {stable_mosaic.version = 14 : i64} {
  func.func @_gather_body(%arg0: i32, %arg1: i32, %arg2: memref<10000x128xf32, #tpu.memory_space<hbm>>, %arg3: memref<2x32x25x80xi32, #tpu.memory_space<hbm>>, %arg4: memref<320000xi32, #tpu.memory_space<hbm>>, %arg5: memref<2x64000x128xf32, #tpu.memory_space<hbm>>, %arg6: memref<2x25x80xi32, #tpu.memory_space<vmem>>, %arg7: memref<80x128xf32, #tpu.memory_space<vmem>>, %arg8: memref<80x128xf32, #tpu.memory_space<vmem>>, %arg9: memref<80x128xf32, #tpu.memory_space<vmem>>, %arg10: memref<80x128xf32, #tpu.memory_space<vmem>>, %arg11: memref<80x128xf32, #tpu.memory_space<vmem>>, %arg12: memref<!tpu.dma_semaphore, #tpu.memory_space<semaphore_mem>>, %arg13: memref<!tpu.dma_semaphore, #tpu.memory_space<semaphore_mem>>, %arg14: memref<!tpu.dma_semaphore, #tpu.memory_space<semaphore_mem>>, %arg15: memref<!tpu.dma_semaphore, #tpu.memory_space<semaphore_mem>>, %arg16: memref<!tpu.dma_semaphore, #tpu.memory_space<semaphore_mem>>, %arg17: memref<!tpu.dma_semaphore, #tpu.memory_space<semaphore_mem>>, %arg18: memref<!tpu.dma_semaphore, #tpu.memory_space<semaphore_mem>>, %arg19: memref<!tpu.dma_semaphore, #tpu.memory_space<semaphore_mem>>, %arg20: memref<!tpu.dma_semaphore, #tpu.memory_space<semaphore_mem>>, %arg21: memref<!tpu.dma_semaphore, #tpu.memory_space<semaphore_mem>>) attributes {dimension_semantics = [#tpu.dimension_semantics<core_parallel>, #tpu.dimension_semantics<subcore_parallel>], iteration_bounds = array<i64: 2, 16>, scalar_prefetch = 0 : i64, scratch_operands = 16 : i64, tpu.core_type = #tpu.core_type<sc_vector_subcore>, window_params = [{transform_indices = #map}, {transform_indices = #map1}, {transform_indices = #map2}, {transform_indices = #map3}]} {
    %mul3A = arith.constant 16 : i32
    %mul3A_0 = arith.muli %arg0, %mul3A : i32
    %add3A = arith.addi %mul3A_0, %arg1 : i32
    %mul3A_1 = arith.constant 2000 : i32
    %mul3A_2 = arith.muli %add3A, %mul3A_1 : i32
    %run_scoped3A = arith.constant 0 : i32
    %run_scoped3A_3 = arith.constant 0 : i32
    "tpu.region"() ({
      %run_scoped3A_94 = tpu.sem_alloc : memref<!tpu.dma_semaphore, #tpu.memory_space<semaphore_mem>>
      %dma_start3A_95 = arith.constant 0 : i32
      %dma_start3A_96 = arith.constant 0 : i32
      %dma_start3A_97 = tpu.memref_slice %arg6[%run_scoped3A_3, %dma_start3A_95, %dma_start3A_96] : memref<2x25x80xi32, #tpu.memory_space<vmem>> -> memref<1x25x80xi32, #tpu.memory_space<vmem>>
      %dma_start3A_98 = tpu.memref_squeeze %dma_start3A_97 : memref<1x25x80xi32, #tpu.memory_space<vmem>> -> memref<25x80xi32, #tpu.memory_space<vmem>>
      %dma_start3A_99 = arith.constant 0 : i32
      %dma_start3A_100 = arith.constant 0 : i32
      %dma_start3A_101 = tpu.memref_slice %arg3[%run_scoped3A, %add3A, %dma_start3A_99, %dma_start3A_100] : memref<2x32x25x80xi32, #tpu.memory_space<hbm>> -> memref<1x1x25x80xi32, #tpu.memory_space<hbm>>
      %dma_start3A_102 = tpu.memref_squeeze %dma_start3A_101 : memref<1x1x25x80xi32, #tpu.memory_space<hbm>> -> memref<25x80xi32, #tpu.memory_space<hbm>>
      %dma_start3A_103 = arith.constant 0 : i32
      %dma_start3A_104 = arith.constant 0 : i32
      %dma_start3A_105 = tpu.memref_slice %arg6[%run_scoped3A_3, %dma_start3A_103, %dma_start3A_104] : memref<2x25x80xi32, #tpu.memory_space<vmem>> -> memref<1x25x80xi32, #tpu.memory_space<vmem>>
      %dma_start3A_106 = tpu.memref_squeeze %dma_start3A_105 : memref<1x25x80xi32, #tpu.memory_space<vmem>> -> memref<25x80xi32, #tpu.memory_space<vmem>>
      %dma_start3A_107 = arith.constant 0 : i32
      %dma_start3A_108 = arith.constant 0 : i32
      %dma_start3A_109 = tpu.memref_slice %arg3[%run_scoped3A, %add3A, %dma_start3A_107, %dma_start3A_108] : memref<2x32x25x80xi32, #tpu.memory_space<hbm>> -> memref<1x1x25x80xi32, #tpu.memory_space<hbm>>
      %dma_start3A_110 = tpu.memref_squeeze %dma_start3A_109 : memref<1x1x25x80xi32, #tpu.memory_space<hbm>> -> memref<25x80xi32, #tpu.memory_space<hbm>>
      tpu.enqueue_dma source(%dma_start3A_110 : memref<25x80xi32, #tpu.memory_space<hbm>>) target(%dma_start3A_106 : memref<25x80xi32, #tpu.memory_space<vmem>>) target_semaphore(%run_scoped3A_94 : memref<!tpu.dma_semaphore, #tpu.memory_space<semaphore_mem>>)
      %dma_wait3A_111 = arith.constant 0 : i32
      %dma_wait3A_112 = arith.constant 0 : i32
      %dma_wait3A_113 = tpu.memref_slice %arg6[%run_scoped3A_3, %dma_wait3A_111, %dma_wait3A_112] : memref<2x25x80xi32, #tpu.memory_space<vmem>> -> memref<1x25x80xi32, #tpu.memory_space<vmem>>
      %dma_wait3A_114 = tpu.memref_squeeze %dma_wait3A_113 : memref<1x25x80xi32, #tpu.memory_space<vmem>> -> memref<25x80xi32, #tpu.memory_space<vmem>>
      %dma_wait3A_115 = arith.constant 0 : i32
      %dma_wait3A_116 = arith.constant 0 : i32
      %dma_wait3A_117 = tpu.memref_slice %arg3[%run_scoped3A, %add3A, %dma_wait3A_115, %dma_wait3A_116] : memref<2x32x25x80xi32, #tpu.memory_space<hbm>> -> memref<1x1x25x80xi32, #tpu.memory_space<hbm>>
      %dma_wait3A_118 = tpu.memref_squeeze %dma_wait3A_117 : memref<1x1x25x80xi32, #tpu.memory_space<hbm>> -> memref<25x80xi32, #tpu.memory_space<hbm>>
      %dma_wait3A_119 = arith.constant 0 : i32
      %dma_wait3A_120 = arith.constant 0 : i32
      %dma_wait3A_121 = tpu.memref_slice %arg6[%run_scoped3A_3, %dma_wait3A_119, %dma_wait3A_120] : memref<2x25x80xi32, #tpu.memory_space<vmem>> -> memref<1x25x80xi32, #tpu.memory_space<vmem>>
      %dma_wait3A_122 = tpu.memref_squeeze %dma_wait3A_121 : memref<1x25x80xi32, #tpu.memory_space<vmem>> -> memref<25x80xi32, #tpu.memory_space<vmem>>
      %dma_wait3A_123 = arith.constant 0 : i32
      %dma_wait3A_124 = arith.constant 0 : i32
      %dma_wait3A_125 = tpu.memref_slice %arg3[%run_scoped3A, %add3A, %dma_wait3A_123, %dma_wait3A_124] : memref<2x32x25x80xi32, #tpu.memory_space<hbm>> -> memref<1x1x25x80xi32, #tpu.memory_space<hbm>>
      %dma_wait3A_126 = tpu.memref_squeeze %dma_wait3A_125 : memref<1x1x25x80xi32, #tpu.memory_space<hbm>> -> memref<25x80xi32, #tpu.memory_space<hbm>>
      tpu.wait_dma2 semaphore(%run_scoped3A_94 : memref<!tpu.dma_semaphore, #tpu.memory_space<semaphore_mem>>) src(%dma_wait3A_126 : memref<25x80xi32, #tpu.memory_space<hbm>>) dst(%dma_wait3A_122 : memref<25x80xi32, #tpu.memory_space<vmem>>)
      tpu.yield
    }) : () -> ()
    %run_scoped3A_4 = arith.constant 1 : i32
    %run_scoped3A_5 = arith.constant 1 : i32
    "tpu.region"() ({
      %run_scoped3A_94 = tpu.sem_alloc : memref<!tpu.dma_semaphore, #tpu.memory_space<semaphore_mem>>
      %dma_start3A_95 = arith.constant 0 : i32
      %dma_start3A_96 = arith.constant 0 : i32
      %dma_start3A_97 = tpu.memref_slice %arg6[%run_scoped3A_5, %dma_start3A_95, %dma_start3A_96] : memref<2x25x80xi32, #tpu.memory_space<vmem>> -> memref<1x25x80xi32, #tpu.memory_space<vmem>>
      %dma_start3A_98 = tpu.memref_squeeze %dma_start3A_97 : memref<1x25x80xi32, #tpu.memory_space<vmem>> -> memref<25x80xi32, #tpu.memory_space<vmem>>
      %dma_start3A_99 = arith.constant 0 : i32
      %dma_start3A_100 = arith.constant 0 : i32
      %dma_start3A_101 = tpu.memref_slice %arg3[%run_scoped3A_4, %add3A, %dma_start3A_99, %dma_start3A_100] : memref<2x32x25x80xi32, #tpu.memory_space<hbm>> -> memref<1x1x25x80xi32, #tpu.memory_space<hbm>>
      %dma_start3A_102 = tpu.memref_squeeze %dma_start3A_101 : memref<1x1x25x80xi32, #tpu.memory_space<hbm>> -> memref<25x80xi32, #tpu.memory_space<hbm>>
      %dma_start3A_103 = arith.constant 0 : i32
      %dma_start3A_104 = arith.constant 0 : i32
      %dma_start3A_105 = tpu.memref_slice %arg6[%run_scoped3A_5, %dma_start3A_103, %dma_start3A_104] : memref<2x25x80xi32, #tpu.memory_space<vmem>> -> memref<1x25x80xi32, #tpu.memory_space<vmem>>
      %dma_start3A_106 = tpu.memref_squeeze %dma_start3A_105 : memref<1x25x80xi32, #tpu.memory_space<vmem>> -> memref<25x80xi32, #tpu.memory_space<vmem>>
      %dma_start3A_107 = arith.constant 0 : i32
      %dma_start3A_108 = arith.constant 0 : i32
      %dma_start3A_109 = tpu.memref_slice %arg3[%run_scoped3A_4, %add3A, %dma_start3A_107, %dma_start3A_108] : memref<2x32x25x80xi32, #tpu.memory_space<hbm>> -> memref<1x1x25x80xi32, #tpu.memory_space<hbm>>
      %dma_start3A_110 = tpu.memref_squeeze %dma_start3A_109 : memref<1x1x25x80xi32, #tpu.memory_space<hbm>> -> memref<25x80xi32, #tpu.memory_space<hbm>>
      tpu.enqueue_dma source(%dma_start3A_110 : memref<25x80xi32, #tpu.memory_space<hbm>>) target(%dma_start3A_106 : memref<25x80xi32, #tpu.memory_space<vmem>>) target_semaphore(%run_scoped3A_94 : memref<!tpu.dma_semaphore, #tpu.memory_space<semaphore_mem>>)
      %dma_wait3A_111 = arith.constant 0 : i32
      %dma_wait3A_112 = arith.constant 0 : i32
      %dma_wait3A_113 = tpu.memref_slice %arg6[%run_scoped3A_5, %dma_wait3A_111, %dma_wait3A_112] : memref<2x25x80xi32, #tpu.memory_space<vmem>> -> memref<1x25x80xi32, #tpu.memory_space<vmem>>
      %dma_wait3A_114 = tpu.memref_squeeze %dma_wait3A_113 : memref<1x25x80xi32, #tpu.memory_space<vmem>> -> memref<25x80xi32, #tpu.memory_space<vmem>>
      %dma_wait3A_115 = arith.constant 0 : i32
      %dma_wait3A_116 = arith.constant 0 : i32
      %dma_wait3A_117 = tpu.memref_slice %arg3[%run_scoped3A_4, %add3A, %dma_wait3A_115, %dma_wait3A_116] : memref<2x32x25x80xi32, #tpu.memory_space<hbm>> -> memref<1x1x25x80xi32, #tpu.memory_space<hbm>>
      %dma_wait3A_118 = tpu.memref_squeeze %dma_wait3A_117 : memref<1x1x25x80xi32, #tpu.memory_space<hbm>> -> memref<25x80xi32, #tpu.memory_space<hbm>>
      %dma_wait3A_119 = arith.constant 0 : i32
      %dma_wait3A_120 = arith.constant 0 : i32
      %dma_wait3A_121 = tpu.memref_slice %arg6[%run_scoped3A_5, %dma_wait3A_119, %dma_wait3A_120] : memref<2x25x80xi32, #tpu.memory_space<vmem>> -> memref<1x25x80xi32, #tpu.memory_space<vmem>>
      %dma_wait3A_122 = tpu.memref_squeeze %dma_wait3A_121 : memref<1x25x80xi32, #tpu.memory_space<vmem>> -> memref<25x80xi32, #tpu.memory_space<vmem>>
      %dma_wait3A_123 = arith.constant 0 : i32
      %dma_wait3A_124 = arith.constant 0 : i32
      %dma_wait3A_125 = tpu.memref_slice %arg3[%run_scoped3A_4, %add3A, %dma_wait3A_123, %dma_wait3A_124] : memref<2x32x25x80xi32, #tpu.memory_space<hbm>> -> memref<1x1x25x80xi32, #tpu.memory_space<hbm>>
      %dma_wait3A_126 = tpu.memref_squeeze %dma_wait3A_125 : memref<1x1x25x80xi32, #tpu.memory_space<hbm>> -> memref<25x80xi32, #tpu.memory_space<hbm>>
      tpu.wait_dma2 semaphore(%run_scoped3A_94 : memref<!tpu.dma_semaphore, #tpu.memory_space<semaphore_mem>>) src(%dma_wait3A_126 : memref<25x80xi32, #tpu.memory_space<hbm>>) dst(%dma_wait3A_122 : memref<25x80xi32, #tpu.memory_space<vmem>>)
      tpu.yield
    }) : () -> ()
    %add3A_6 = arith.constant 0 : i32
    %add3A_7 = arith.addi %mul3A_2, %add3A_6 : i32
    %dma_start3A = arith.constant 0 : i32
    %dma_start3A_8 = arith.constant 0 : i32
    %dma_start3A_9 = arith.constant 0 : i32
    %dma_start3A_10 = tpu.memref_slice %arg6[%dma_start3A, %dma_start3A_8, %dma_start3A_9] : memref<2x25x80xi32, #tpu.memory_space<vmem>> -> memref<1x1x80xi32, #tpu.memory_space<vmem>>
    %dma_start3A_11 = tpu.memref_squeeze %dma_start3A_10 : memref<1x1x80xi32, #tpu.memory_space<vmem>> -> memref<80xi32, #tpu.memory_space<vmem>>
    %dma_start3A_12 = arith.constant 0 : i32
    %dma_start3A_13 = arith.constant 0 : i32
    %dma_start3A_14 = tpu.memref_slice %arg2[%dma_start3A_12, %dma_start3A_13] : memref<10000x128xf32, #tpu.memory_space<hbm>> -> memref<10000x128xf32, #tpu.memory_space<hbm>>
    tpu.enqueue_indirect_dma source(%dma_start3A_14 : memref<10000x128xf32, #tpu.memory_space<hbm>>) target(%arg7 : memref<80x128xf32, #tpu.memory_space<vmem>>) offsets(%dma_start3A_11 : memref<80xi32, #tpu.memory_space<vmem>>) semaphore(%arg12 : memref<!tpu.dma_semaphore, #tpu.memory_space<semaphore_mem>>)
    %add3A_15 = arith.constant 80 : i32
    %add3A_16 = arith.addi %mul3A_2, %add3A_15 : i32
    %dma_start3A_17 = arith.constant 0 : i32
    %dma_start3A_18 = arith.constant 1 : i32
    %dma_start3A_19 = arith.constant 0 : i32
    %dma_start3A_20 = tpu.memref_slice %arg6[%dma_start3A_17, %dma_start3A_18, %dma_start3A_19] : memref<2x25x80xi32, #tpu.memory_space<vmem>> -> memref<1x1x80xi32, #tpu.memory_space<vmem>>
    %dma_start3A_21 = tpu.memref_squeeze %dma_start3A_20 : memref<1x1x80xi32, #tpu.memory_space<vmem>> -> memref<80xi32, #tpu.memory_space<vmem>>
    %dma_start3A_22 = arith.constant 0 : i32
    %dma_start3A_23 = arith.constant 0 : i32
    %dma_start3A_24 = tpu.memref_slice %arg2[%dma_start3A_22, %dma_start3A_23] : memref<10000x128xf32, #tpu.memory_space<hbm>> -> memref<10000x128xf32, #tpu.memory_space<hbm>>
    tpu.enqueue_indirect_dma source(%dma_start3A_24 : memref<10000x128xf32, #tpu.memory_space<hbm>>) target(%arg8 : memref<80x128xf32, #tpu.memory_space<vmem>>) offsets(%dma_start3A_21 : memref<80xi32, #tpu.memory_space<vmem>>) semaphore(%arg13 : memref<!tpu.dma_semaphore, #tpu.memory_space<semaphore_mem>>)
    %add3A_25 = arith.constant 160 : i32
    %add3A_26 = arith.addi %mul3A_2, %add3A_25 : i32
    %dma_start3A_27 = arith.constant 0 : i32
    %dma_start3A_28 = arith.constant 2 : i32
    %dma_start3A_29 = arith.constant 0 : i32
    %dma_start3A_30 = tpu.memref_slice %arg6[%dma_start3A_27, %dma_start3A_28, %dma_start3A_29] : memref<2x25x80xi32, #tpu.memory_space<vmem>> -> memref<1x1x80xi32, #tpu.memory_space<vmem>>
    %dma_start3A_31 = tpu.memref_squeeze %dma_start3A_30 : memref<1x1x80xi32, #tpu.memory_space<vmem>> -> memref<80xi32, #tpu.memory_space<vmem>>
    %dma_start3A_32 = arith.constant 0 : i32
    %dma_start3A_33 = arith.constant 0 : i32
    %dma_start3A_34 = tpu.memref_slice %arg2[%dma_start3A_32, %dma_start3A_33] : memref<10000x128xf32, #tpu.memory_space<hbm>> -> memref<10000x128xf32, #tpu.memory_space<hbm>>
    tpu.enqueue_indirect_dma source(%dma_start3A_34 : memref<10000x128xf32, #tpu.memory_space<hbm>>) target(%arg9 : memref<80x128xf32, #tpu.memory_space<vmem>>) offsets(%dma_start3A_31 : memref<80xi32, #tpu.memory_space<vmem>>) semaphore(%arg14 : memref<!tpu.dma_semaphore, #tpu.memory_space<semaphore_mem>>)
    %add3A_35 = arith.constant 240 : i32
    %add3A_36 = arith.addi %mul3A_2, %add3A_35 : i32
    %dma_start3A_37 = arith.constant 0 : i32
    %dma_start3A_38 = arith.constant 3 : i32
    %dma_start3A_39 = arith.constant 0 : i32
    %dma_start3A_40 = tpu.memref_slice %arg6[%dma_start3A_37, %dma_start3A_38, %dma_start3A_39] : memref<2x25x80xi32, #tpu.memory_space<vmem>> -> memref<1x1x80xi32, #tpu.memory_space<vmem>>
    %dma_start3A_41 = tpu.memref_squeeze %dma_start3A_40 : memref<1x1x80xi32, #tpu.memory_space<vmem>> -> memref<80xi32, #tpu.memory_space<vmem>>
    %dma_start3A_42 = arith.constant 0 : i32
    %dma_start3A_43 = arith.constant 0 : i32
    %dma_start3A_44 = tpu.memref_slice %arg2[%dma_start3A_42, %dma_start3A_43] : memref<10000x128xf32, #tpu.memory_space<hbm>> -> memref<10000x128xf32, #tpu.memory_space<hbm>>
    tpu.enqueue_indirect_dma source(%dma_start3A_44 : memref<10000x128xf32, #tpu.memory_space<hbm>>) target(%arg10 : memref<80x128xf32, #tpu.memory_space<vmem>>) offsets(%dma_start3A_41 : memref<80xi32, #tpu.memory_space<vmem>>) semaphore(%arg15 : memref<!tpu.dma_semaphore, #tpu.memory_space<semaphore_mem>>)
    %add3A_45 = arith.constant 320 : i32
    %add3A_46 = arith.addi %mul3A_2, %add3A_45 : i32
    %dma_start3A_47 = arith.constant 0 : i32
    %dma_start3A_48 = arith.constant 4 : i32
    %dma_start3A_49 = arith.constant 0 : i32
    %dma_start3A_50 = tpu.memref_slice %arg6[%dma_start3A_47, %dma_start3A_48, %dma_start3A_49] : memref<2x25x80xi32, #tpu.memory_space<vmem>> -> memref<1x1x80xi32, #tpu.memory_space<vmem>>
    %dma_start3A_51 = tpu.memref_squeeze %dma_start3A_50 : memref<1x1x80xi32, #tpu.memory_space<vmem>> -> memref<80xi32, #tpu.memory_space<vmem>>
    %dma_start3A_52 = arith.constant 0 : i32
    %dma_start3A_53 = arith.constant 0 : i32
    %dma_start3A_54 = tpu.memref_slice %arg2[%dma_start3A_52, %dma_start3A_53] : memref<10000x128xf32, #tpu.memory_space<hbm>> -> memref<10000x128xf32, #tpu.memory_space<hbm>>
    tpu.enqueue_indirect_dma source(%dma_start3A_54 : memref<10000x128xf32, #tpu.memory_space<hbm>>) target(%arg11 : memref<80x128xf32, #tpu.memory_space<vmem>>) offsets(%dma_start3A_51 : memref<80xi32, #tpu.memory_space<vmem>>) semaphore(%arg16 : memref<!tpu.dma_semaphore, #tpu.memory_space<semaphore_mem>>)
    %scan3A = arith.constant 0 : i32
    %scan3A_55 = arith.constant 0 : i32
    %scan3A_56 = arith.constant 10 : i32
    %scan3A_57 = arith.addi %scan3A_55, %scan3A_56 : i32
    %scan3A_58 = arith.constant 1 : i32
    scf.for %scan3A_94 = %scan3A_55 to %scan3A_57 step %scan3A_58  : i32 {
      %mul3A_95 = arith.constant 5 : i32
      %mul3A_96 = arith.muli %scan3A_94, %mul3A_95 : i32
      %add3A_97 = arith.constant 0 : i32
      %add3A_98 = arith.addi %mul3A_96, %add3A_97 : i32
      %jit3A = arith.constant 25 : i32
      %div3A = arith.divsi %add3A_98, %jit3A : i32
      %sign3A = arith.constant 0 : i32
      %sign3A_99 = arith.cmpi sgt, %add3A_98, %sign3A : i32
      %sign3A_100 = arith.extui %sign3A_99 : i1 to i32
      %sign3A_101 = arith.constant 0 : i32
      %sign3A_102 = arith.cmpi slt, %add3A_98, %sign3A_101 : i32
      %sign3A_103 = arith.extui %sign3A_102 : i1 to i32
      %sign3A_104 = arith.subi %sign3A_100, %sign3A_103 : i32
      %sign3A_105 = arith.constant 0 : i32
      %sign3A_106 = arith.cmpi sgt, %jit3A, %sign3A_105 : i32
      %sign3A_107 = arith.extui %sign3A_106 : i1 to i32
      %sign3A_108 = arith.constant 0 : i32
      %sign3A_109 = arith.cmpi slt, %jit3A, %sign3A_108 : i32
      %sign3A_110 = arith.extui %sign3A_109 : i1 to i32
      %sign3A_111 = arith.subi %sign3A_107, %sign3A_110 : i32
      %ne3A = arith.cmpi ne, %sign3A_104, %sign3A_111 : i32
      %rem3A = arith.remsi %add3A_98, %jit3A : i32
      %ne3A_112 = arith.constant 0 : i32
      %ne3A_113 = arith.cmpi ne, %rem3A, %ne3A_112 : i32
      %and3A = arith.andi %ne3A, %ne3A_113 : i1
      %sub3A = arith.constant 1 : i32
      %sub3A_114 = arith.subi %div3A, %sub3A : i32
      %select_n3A = arith.select %and3A, %sub3A_114, %div3A : i32
      %jit3A_115 = arith.constant 25 : i32
      %eq3A = arith.constant 0 : i32
      %eq3A_116 = arith.cmpi eq, %jit3A_115, %eq3A : i32
      %jit3A_117 = arith.constant 1 : i32
      %select_n3A_118 = arith.select %eq3A_116, %jit3A_117, %jit3A_115 : i32
      %rem3A_119 = arith.remsi %add3A_98, %select_n3A_118 : i32
      %ne3A_120 = arith.constant 0 : i32
      %ne3A_121 = arith.cmpi ne, %rem3A_119, %ne3A_120 : i32
      %lt3A = arith.constant 0 : i32
      %lt3A_122 = arith.cmpi slt, %rem3A_119, %lt3A : i32
      %lt3A_123 = arith.constant 0 : i32
      %lt3A_124 = arith.cmpi slt, %select_n3A_118, %lt3A_123 : i32
      %ne3A_125 = arith.xori %lt3A_122, %lt3A_124 : i1
      %and3A_126 = arith.andi %ne3A_125, %ne3A_121 : i1
      %add3A_127 = arith.addi %rem3A_119, %select_n3A_118 : i32
      %select_n3A_128 = arith.select %and3A_126, %add3A_127, %rem3A_119 : i32
      %mul3A_129 = arith.constant 80 : i32
      %mul3A_130 = arith.muli %select_n3A_128, %mul3A_129 : i32
      %add3A_131 = arith.addi %mul3A_2, %mul3A_130 : i32
      %dma_wait3A_132 = arith.constant 0 : i32
      %dma_wait3A_133 = tpu.memref_slice %arg6[%select_n3A, %select_n3A_128, %dma_wait3A_132] : memref<2x25x80xi32, #tpu.memory_space<vmem>> -> memref<1x1x80xi32, #tpu.memory_space<vmem>>
      %dma_wait3A_134 = tpu.memref_squeeze %dma_wait3A_133 : memref<1x1x80xi32, #tpu.memory_space<vmem>> -> memref<80xi32, #tpu.memory_space<vmem>>
      %dma_wait3A_135 = arith.constant 0 : i32
      %dma_wait3A_136 = arith.constant 0 : i32
      %dma_wait3A_137 = tpu.memref_slice %arg2[%dma_wait3A_135, %dma_wait3A_136] : memref<10000x128xf32, #tpu.memory_space<hbm>> -> memref<10000x128xf32, #tpu.memory_space<hbm>>
      tpu.wait_indirect_dma semaphore(%arg12 : memref<!tpu.dma_semaphore, #tpu.memory_space<semaphore_mem>>) src(%dma_wait3A_137 : memref<10000x128xf32, #tpu.memory_space<hbm>>) dst(%arg7 : memref<80x128xf32, #tpu.memory_space<vmem>>)
      %dma_start3A_138 = arith.constant 0 : i32
      %dma_start3A_139 = tpu.memref_slice %arg5[%select_n3A, %add3A_131, %dma_start3A_138] : memref<2x64000x128xf32, #tpu.memory_space<hbm>> -> memref<1x80x128xf32, #tpu.memory_space<hbm>>
      %dma_start3A_140 = tpu.memref_squeeze %dma_start3A_139 : memref<1x80x128xf32, #tpu.memory_space<hbm>> -> memref<80x128xf32, #tpu.memory_space<hbm>>
      %dma_start3A_141 = arith.constant 0 : i32
      %dma_start3A_142 = tpu.memref_slice %arg5[%select_n3A, %add3A_131, %dma_start3A_141] : memref<2x64000x128xf32, #tpu.memory_space<hbm>> -> memref<1x80x128xf32, #tpu.memory_space<hbm>>
      %dma_start3A_143 = tpu.memref_squeeze %dma_start3A_142 : memref<1x80x128xf32, #tpu.memory_space<hbm>> -> memref<80x128xf32, #tpu.memory_space<hbm>>
      tpu.enqueue_dma source(%arg7 : memref<80x128xf32, #tpu.memory_space<vmem>>) target(%dma_start3A_143 : memref<80x128xf32, #tpu.memory_space<hbm>>) target_semaphore(%arg17 : memref<!tpu.dma_semaphore, #tpu.memory_space<semaphore_mem>>)
      %mul3A_144 = arith.constant 5 : i32
      %mul3A_145 = arith.muli %scan3A_94, %mul3A_144 : i32
      %add3A_146 = arith.constant 1 : i32
      %add3A_147 = arith.addi %mul3A_145, %add3A_146 : i32
      %jit3A_148 = arith.constant 25 : i32
      %div3A_149 = arith.divsi %add3A_147, %jit3A_148 : i32
      %sign3A_150 = arith.constant 0 : i32
      %sign3A_151 = arith.cmpi sgt, %add3A_147, %sign3A_150 : i32
      %sign3A_152 = arith.extui %sign3A_151 : i1 to i32
      %sign3A_153 = arith.constant 0 : i32
      %sign3A_154 = arith.cmpi slt, %add3A_147, %sign3A_153 : i32
      %sign3A_155 = arith.extui %sign3A_154 : i1 to i32
      %sign3A_156 = arith.subi %sign3A_152, %sign3A_155 : i32
      %sign3A_157 = arith.constant 0 : i32
      %sign3A_158 = arith.cmpi sgt, %jit3A_148, %sign3A_157 : i32
      %sign3A_159 = arith.extui %sign3A_158 : i1 to i32
      %sign3A_160 = arith.constant 0 : i32
      %sign3A_161 = arith.cmpi slt, %jit3A_148, %sign3A_160 : i32
      %sign3A_162 = arith.extui %sign3A_161 : i1 to i32
      %sign3A_163 = arith.subi %sign3A_159, %sign3A_162 : i32
      %ne3A_164 = arith.cmpi ne, %sign3A_156, %sign3A_163 : i32
      %rem3A_165 = arith.remsi %add3A_147, %jit3A_148 : i32
      %ne3A_166 = arith.constant 0 : i32
      %ne3A_167 = arith.cmpi ne, %rem3A_165, %ne3A_166 : i32
      %and3A_168 = arith.andi %ne3A_164, %ne3A_167 : i1
      %sub3A_169 = arith.constant 1 : i32
      %sub3A_170 = arith.subi %div3A_149, %sub3A_169 : i32
      %select_n3A_171 = arith.select %and3A_168, %sub3A_170, %div3A_149 : i32
      %jit3A_172 = arith.constant 25 : i32
      %eq3A_173 = arith.constant 0 : i32
      %eq3A_174 = arith.cmpi eq, %jit3A_172, %eq3A_173 : i32
      %jit3A_175 = arith.constant 1 : i32
      %select_n3A_176 = arith.select %eq3A_174, %jit3A_175, %jit3A_172 : i32
      %rem3A_177 = arith.remsi %add3A_147, %select_n3A_176 : i32
      %ne3A_178 = arith.constant 0 : i32
      %ne3A_179 = arith.cmpi ne, %rem3A_177, %ne3A_178 : i32
      %lt3A_180 = arith.constant 0 : i32
      %lt3A_181 = arith.cmpi slt, %rem3A_177, %lt3A_180 : i32
      %lt3A_182 = arith.constant 0 : i32
      %lt3A_183 = arith.cmpi slt, %select_n3A_176, %lt3A_182 : i32
      %ne3A_184 = arith.xori %lt3A_181, %lt3A_183 : i1
      %and3A_185 = arith.andi %ne3A_184, %ne3A_179 : i1
      %add3A_186 = arith.addi %rem3A_177, %select_n3A_176 : i32
      %select_n3A_187 = arith.select %and3A_185, %add3A_186, %rem3A_177 : i32
      %mul3A_188 = arith.constant 80 : i32
      %mul3A_189 = arith.muli %select_n3A_187, %mul3A_188 : i32
      %add3A_190 = arith.addi %mul3A_2, %mul3A_189 : i32
      %dma_wait3A_191 = arith.constant 0 : i32
      %dma_wait3A_192 = tpu.memref_slice %arg6[%select_n3A_171, %select_n3A_187, %dma_wait3A_191] : memref<2x25x80xi32, #tpu.memory_space<vmem>> -> memref<1x1x80xi32, #tpu.memory_space<vmem>>
      %dma_wait3A_193 = tpu.memref_squeeze %dma_wait3A_192 : memref<1x1x80xi32, #tpu.memory_space<vmem>> -> memref<80xi32, #tpu.memory_space<vmem>>
      %dma_wait3A_194 = arith.constant 0 : i32
      %dma_wait3A_195 = arith.constant 0 : i32
      %dma_wait3A_196 = tpu.memref_slice %arg2[%dma_wait3A_194, %dma_wait3A_195] : memref<10000x128xf32, #tpu.memory_space<hbm>> -> memref<10000x128xf32, #tpu.memory_space<hbm>>
      tpu.wait_indirect_dma semaphore(%arg13 : memref<!tpu.dma_semaphore, #tpu.memory_space<semaphore_mem>>) src(%dma_wait3A_196 : memref<10000x128xf32, #tpu.memory_space<hbm>>) dst(%arg8 : memref<80x128xf32, #tpu.memory_space<vmem>>)
      %dma_start3A_197 = arith.constant 0 : i32
      %dma_start3A_198 = tpu.memref_slice %arg5[%select_n3A_171, %add3A_190, %dma_start3A_197] : memref<2x64000x128xf32, #tpu.memory_space<hbm>> -> memref<1x80x128xf32, #tpu.memory_space<hbm>>
      %dma_start3A_199 = tpu.memref_squeeze %dma_start3A_198 : memref<1x80x128xf32, #tpu.memory_space<hbm>> -> memref<80x128xf32, #tpu.memory_space<hbm>>
      %dma_start3A_200 = arith.constant 0 : i32
      %dma_start3A_201 = tpu.memref_slice %arg5[%select_n3A_171, %add3A_190, %dma_start3A_200] : memref<2x64000x128xf32, #tpu.memory_space<hbm>> -> memref<1x80x128xf32, #tpu.memory_space<hbm>>
      %dma_start3A_202 = tpu.memref_squeeze %dma_start3A_201 : memref<1x80x128xf32, #tpu.memory_space<hbm>> -> memref<80x128xf32, #tpu.memory_space<hbm>>
      tpu.enqueue_dma source(%arg8 : memref<80x128xf32, #tpu.memory_space<vmem>>) target(%dma_start3A_202 : memref<80x128xf32, #tpu.memory_space<hbm>>) target_semaphore(%arg18 : memref<!tpu.dma_semaphore, #tpu.memory_space<semaphore_mem>>)
      %mul3A_203 = arith.constant 5 : i32
      %mul3A_204 = arith.muli %scan3A_94, %mul3A_203 : i32
      %add3A_205 = arith.constant 2 : i32
      %add3A_206 = arith.addi %mul3A_204, %add3A_205 : i32
      %jit3A_207 = arith.constant 25 : i32
      %div3A_208 = arith.divsi %add3A_206, %jit3A_207 : i32
      %sign3A_209 = arith.constant 0 : i32
      %sign3A_210 = arith.cmpi sgt, %add3A_206, %sign3A_209 : i32
      %sign3A_211 = arith.extui %sign3A_210 : i1 to i32
      %sign3A_212 = arith.constant 0 : i32
      %sign3A_213 = arith.cmpi slt, %add3A_206, %sign3A_212 : i32
      %sign3A_214 = arith.extui %sign3A_213 : i1 to i32
      %sign3A_215 = arith.subi %sign3A_211, %sign3A_214 : i32
      %sign3A_216 = arith.constant 0 : i32
      %sign3A_217 = arith.cmpi sgt, %jit3A_207, %sign3A_216 : i32
      %sign3A_218 = arith.extui %sign3A_217 : i1 to i32
      %sign3A_219 = arith.constant 0 : i32
      %sign3A_220 = arith.cmpi slt, %jit3A_207, %sign3A_219 : i32
      %sign3A_221 = arith.extui %sign3A_220 : i1 to i32
      %sign3A_222 = arith.subi %sign3A_218, %sign3A_221 : i32
      %ne3A_223 = arith.cmpi ne, %sign3A_215, %sign3A_222 : i32
      %rem3A_224 = arith.remsi %add3A_206, %jit3A_207 : i32
      %ne3A_225 = arith.constant 0 : i32
      %ne3A_226 = arith.cmpi ne, %rem3A_224, %ne3A_225 : i32
      %and3A_227 = arith.andi %ne3A_223, %ne3A_226 : i1
      %sub3A_228 = arith.constant 1 : i32
      %sub3A_229 = arith.subi %div3A_208, %sub3A_228 : i32
      %select_n3A_230 = arith.select %and3A_227, %sub3A_229, %div3A_208 : i32
      %jit3A_231 = arith.constant 25 : i32
      %eq3A_232 = arith.constant 0 : i32
      %eq3A_233 = arith.cmpi eq, %jit3A_231, %eq3A_232 : i32
      %jit3A_234 = arith.constant 1 : i32
      %select_n3A_235 = arith.select %eq3A_233, %jit3A_234, %jit3A_231 : i32
      %rem3A_236 = arith.remsi %add3A_206, %select_n3A_235 : i32
      %ne3A_237 = arith.constant 0 : i32
      %ne3A_238 = arith.cmpi ne, %rem3A_236, %ne3A_237 : i32
      %lt3A_239 = arith.constant 0 : i32
      %lt3A_240 = arith.cmpi slt, %rem3A_236, %lt3A_239 : i32
      %lt3A_241 = arith.constant 0 : i32
      %lt3A_242 = arith.cmpi slt, %select_n3A_235, %lt3A_241 : i32
      %ne3A_243 = arith.xori %lt3A_240, %lt3A_242 : i1
      %and3A_244 = arith.andi %ne3A_243, %ne3A_238 : i1
      %add3A_245 = arith.addi %rem3A_236, %select_n3A_235 : i32
      %select_n3A_246 = arith.select %and3A_244, %add3A_245, %rem3A_236 : i32
      %mul3A_247 = arith.constant 80 : i32
      %mul3A_248 = arith.muli %select_n3A_246, %mul3A_247 : i32
      %add3A_249 = arith.addi %mul3A_2, %mul3A_248 : i32
      %dma_wait3A_250 = arith.constant 0 : i32
      %dma_wait3A_251 = tpu.memref_slice %arg6[%select_n3A_230, %select_n3A_246, %dma_wait3A_250] : memref<2x25x80xi32, #tpu.memory_space<vmem>> -> memref<1x1x80xi32, #tpu.memory_space<vmem>>
      %dma_wait3A_252 = tpu.memref_squeeze %dma_wait3A_251 : memref<1x1x80xi32, #tpu.memory_space<vmem>> -> memref<80xi32, #tpu.memory_space<vmem>>
      %dma_wait3A_253 = arith.constant 0 : i32
      %dma_wait3A_254 = arith.constant 0 : i32
      %dma_wait3A_255 = tpu.memref_slice %arg2[%dma_wait3A_253, %dma_wait3A_254] : memref<10000x128xf32, #tpu.memory_space<hbm>> -> memref<10000x128xf32, #tpu.memory_space<hbm>>
      tpu.wait_indirect_dma semaphore(%arg14 : memref<!tpu.dma_semaphore, #tpu.memory_space<semaphore_mem>>) src(%dma_wait3A_255 : memref<10000x128xf32, #tpu.memory_space<hbm>>) dst(%arg9 : memref<80x128xf32, #tpu.memory_space<vmem>>)
      %dma_start3A_256 = arith.constant 0 : i32
      %dma_start3A_257 = tpu.memref_slice %arg5[%select_n3A_230, %add3A_249, %dma_start3A_256] : memref<2x64000x128xf32, #tpu.memory_space<hbm>> -> memref<1x80x128xf32, #tpu.memory_space<hbm>>
      %dma_start3A_258 = tpu.memref_squeeze %dma_start3A_257 : memref<1x80x128xf32, #tpu.memory_space<hbm>> -> memref<80x128xf32, #tpu.memory_space<hbm>>
      %dma_start3A_259 = arith.constant 0 : i32
      %dma_start3A_260 = tpu.memref_slice %arg5[%select_n3A_230, %add3A_249, %dma_start3A_259] : memref<2x64000x128xf32, #tpu.memory_space<hbm>> -> memref<1x80x128xf32, #tpu.memory_space<hbm>>
      %dma_start3A_261 = tpu.memref_squeeze %dma_start3A_260 : memref<1x80x128xf32, #tpu.memory_space<hbm>> -> memref<80x128xf32, #tpu.memory_space<hbm>>
      tpu.enqueue_dma source(%arg9 : memref<80x128xf32, #tpu.memory_space<vmem>>) target(%dma_start3A_261 : memref<80x128xf32, #tpu.memory_space<hbm>>) target_semaphore(%arg19 : memref<!tpu.dma_semaphore, #tpu.memory_space<semaphore_mem>>)
      %mul3A_262 = arith.constant 5 : i32
      %mul3A_263 = arith.muli %scan3A_94, %mul3A_262 : i32
      %add3A_264 = arith.constant 3 : i32
      %add3A_265 = arith.addi %mul3A_263, %add3A_264 : i32
      %jit3A_266 = arith.constant 25 : i32
      %div3A_267 = arith.divsi %add3A_265, %jit3A_266 : i32
      %sign3A_268 = arith.constant 0 : i32
      %sign3A_269 = arith.cmpi sgt, %add3A_265, %sign3A_268 : i32
      %sign3A_270 = arith.extui %sign3A_269 : i1 to i32
      %sign3A_271 = arith.constant 0 : i32
      %sign3A_272 = arith.cmpi slt, %add3A_265, %sign3A_271 : i32
      %sign3A_273 = arith.extui %sign3A_272 : i1 to i32
      %sign3A_274 = arith.subi %sign3A_270, %sign3A_273 : i32
      %sign3A_275 = arith.constant 0 : i32
      %sign3A_276 = arith.cmpi sgt, %jit3A_266, %sign3A_275 : i32
      %sign3A_277 = arith.extui %sign3A_276 : i1 to i32
      %sign3A_278 = arith.constant 0 : i32
      %sign3A_279 = arith.cmpi slt, %jit3A_266, %sign3A_278 : i32
      %sign3A_280 = arith.extui %sign3A_279 : i1 to i32
      %sign3A_281 = arith.subi %sign3A_277, %sign3A_280 : i32
      %ne3A_282 = arith.cmpi ne, %sign3A_274, %sign3A_281 : i32
      %rem3A_283 = arith.remsi %add3A_265, %jit3A_266 : i32
      %ne3A_284 = arith.constant 0 : i32
      %ne3A_285 = arith.cmpi ne, %rem3A_283, %ne3A_284 : i32
      %and3A_286 = arith.andi %ne3A_282, %ne3A_285 : i1
      %sub3A_287 = arith.constant 1 : i32
      %sub3A_288 = arith.subi %div3A_267, %sub3A_287 : i32
      %select_n3A_289 = arith.select %and3A_286, %sub3A_288, %div3A_267 : i32
      %jit3A_290 = arith.constant 25 : i32
      %eq3A_291 = arith.constant 0 : i32
      %eq3A_292 = arith.cmpi eq, %jit3A_290, %eq3A_291 : i32
      %jit3A_293 = arith.constant 1 : i32
      %select_n3A_294 = arith.select %eq3A_292, %jit3A_293, %jit3A_290 : i32
      %rem3A_295 = arith.remsi %add3A_265, %select_n3A_294 : i32
      %ne3A_296 = arith.constant 0 : i32
      %ne3A_297 = arith.cmpi ne, %rem3A_295, %ne3A_296 : i32
      %lt3A_298 = arith.constant 0 : i32
      %lt3A_299 = arith.cmpi slt, %rem3A_295, %lt3A_298 : i32
      %lt3A_300 = arith.constant 0 : i32
      %lt3A_301 = arith.cmpi slt, %select_n3A_294, %lt3A_300 : i32
      %ne3A_302 = arith.xori %lt3A_299, %lt3A_301 : i1
      %and3A_303 = arith.andi %ne3A_302, %ne3A_297 : i1
      %add3A_304 = arith.addi %rem3A_295, %select_n3A_294 : i32
      %select_n3A_305 = arith.select %and3A_303, %add3A_304, %rem3A_295 : i32
      %mul3A_306 = arith.constant 80 : i32
      %mul3A_307 = arith.muli %select_n3A_305, %mul3A_306 : i32
      %add3A_308 = arith.addi %mul3A_2, %mul3A_307 : i32
      %dma_wait3A_309 = arith.constant 0 : i32
      %dma_wait3A_310 = tpu.memref_slice %arg6[%select_n3A_289, %select_n3A_305, %dma_wait3A_309] : memref<2x25x80xi32, #tpu.memory_space<vmem>> -> memref<1x1x80xi32, #tpu.memory_space<vmem>>
      %dma_wait3A_311 = tpu.memref_squeeze %dma_wait3A_310 : memref<1x1x80xi32, #tpu.memory_space<vmem>> -> memref<80xi32, #tpu.memory_space<vmem>>
      %dma_wait3A_312 = arith.constant 0 : i32
      %dma_wait3A_313 = arith.constant 0 : i32
      %dma_wait3A_314 = tpu.memref_slice %arg2[%dma_wait3A_312, %dma_wait3A_313] : memref<10000x128xf32, #tpu.memory_space<hbm>> -> memref<10000x128xf32, #tpu.memory_space<hbm>>
      tpu.wait_indirect_dma semaphore(%arg15 : memref<!tpu.dma_semaphore, #tpu.memory_space<semaphore_mem>>) src(%dma_wait3A_314 : memref<10000x128xf32, #tpu.memory_space<hbm>>) dst(%arg10 : memref<80x128xf32, #tpu.memory_space<vmem>>)
      %dma_start3A_315 = arith.constant 0 : i32
      %dma_start3A_316 = tpu.memref_slice %arg5[%select_n3A_289, %add3A_308, %dma_start3A_315] : memref<2x64000x128xf32, #tpu.memory_space<hbm>> -> memref<1x80x128xf32, #tpu.memory_space<hbm>>
      %dma_start3A_317 = tpu.memref_squeeze %dma_start3A_316 : memref<1x80x128xf32, #tpu.memory_space<hbm>> -> memref<80x128xf32, #tpu.memory_space<hbm>>
      %dma_start3A_318 = arith.constant 0 : i32
      %dma_start3A_319 = tpu.memref_slice %arg5[%select_n3A_289, %add3A_308, %dma_start3A_318] : memref<2x64000x128xf32, #tpu.memory_space<hbm>> -> memref<1x80x128xf32, #tpu.memory_space<hbm>>
      %dma_start3A_320 = tpu.memref_squeeze %dma_start3A_319 : memref<1x80x128xf32, #tpu.memory_space<hbm>> -> memref<80x128xf32, #tpu.memory_space<hbm>>
      tpu.enqueue_dma source(%arg10 : memref<80x128xf32, #tpu.memory_space<vmem>>) target(%dma_start3A_320 : memref<80x128xf32, #tpu.memory_space<hbm>>) target_semaphore(%arg20 : memref<!tpu.dma_semaphore, #tpu.memory_space<semaphore_mem>>)
      %mul3A_321 = arith.constant 5 : i32
      %mul3A_322 = arith.muli %scan3A_94, %mul3A_321 : i32
      %add3A_323 = arith.constant 4 : i32
      %add3A_324 = arith.addi %mul3A_322, %add3A_323 : i32
      %jit3A_325 = arith.constant 25 : i32
      %div3A_326 = arith.divsi %add3A_324, %jit3A_325 : i32
      %sign3A_327 = arith.constant 0 : i32
      %sign3A_328 = arith.cmpi sgt, %add3A_324, %sign3A_327 : i32
      %sign3A_329 = arith.extui %sign3A_328 : i1 to i32
      %sign3A_330 = arith.constant 0 : i32
      %sign3A_331 = arith.cmpi slt, %add3A_324, %sign3A_330 : i32
      %sign3A_332 = arith.extui %sign3A_331 : i1 to i32
      %sign3A_333 = arith.subi %sign3A_329, %sign3A_332 : i32
      %sign3A_334 = arith.constant 0 : i32
      %sign3A_335 = arith.cmpi sgt, %jit3A_325, %sign3A_334 : i32
      %sign3A_336 = arith.extui %sign3A_335 : i1 to i32
      %sign3A_337 = arith.constant 0 : i32
      %sign3A_338 = arith.cmpi slt, %jit3A_325, %sign3A_337 : i32
      %sign3A_339 = arith.extui %sign3A_338 : i1 to i32
      %sign3A_340 = arith.subi %sign3A_336, %sign3A_339 : i32
      %ne3A_341 = arith.cmpi ne, %sign3A_333, %sign3A_340 : i32
      %rem3A_342 = arith.remsi %add3A_324, %jit3A_325 : i32
      %ne3A_343 = arith.constant 0 : i32
      %ne3A_344 = arith.cmpi ne, %rem3A_342, %ne3A_343 : i32
      %and3A_345 = arith.andi %ne3A_341, %ne3A_344 : i1
      %sub3A_346 = arith.constant 1 : i32
      %sub3A_347 = arith.subi %div3A_326, %sub3A_346 : i32
      %select_n3A_348 = arith.select %and3A_345, %sub3A_347, %div3A_326 : i32
      %jit3A_349 = arith.constant 25 : i32
      %eq3A_350 = arith.constant 0 : i32
      %eq3A_351 = arith.cmpi eq, %jit3A_349, %eq3A_350 : i32
      %jit3A_352 = arith.constant 1 : i32
      %select_n3A_353 = arith.select %eq3A_351, %jit3A_352, %jit3A_349 : i32
      %rem3A_354 = arith.remsi %add3A_324, %select_n3A_353 : i32
      %ne3A_355 = arith.constant 0 : i32
      %ne3A_356 = arith.cmpi ne, %rem3A_354, %ne3A_355 : i32
      %lt3A_357 = arith.constant 0 : i32
      %lt3A_358 = arith.cmpi slt, %rem3A_354, %lt3A_357 : i32
      %lt3A_359 = arith.constant 0 : i32
      %lt3A_360 = arith.cmpi slt, %select_n3A_353, %lt3A_359 : i32
      %ne3A_361 = arith.xori %lt3A_358, %lt3A_360 : i1
      %and3A_362 = arith.andi %ne3A_361, %ne3A_356 : i1
      %add3A_363 = arith.addi %rem3A_354, %select_n3A_353 : i32
      %select_n3A_364 = arith.select %and3A_362, %add3A_363, %rem3A_354 : i32
      %mul3A_365 = arith.constant 80 : i32
      %mul3A_366 = arith.muli %select_n3A_364, %mul3A_365 : i32
      %add3A_367 = arith.addi %mul3A_2, %mul3A_366 : i32
      %dma_wait3A_368 = arith.constant 0 : i32
      %dma_wait3A_369 = tpu.memref_slice %arg6[%select_n3A_348, %select_n3A_364, %dma_wait3A_368] : memref<2x25x80xi32, #tpu.memory_space<vmem>> -> memref<1x1x80xi32, #tpu.memory_space<vmem>>
      %dma_wait3A_370 = tpu.memref_squeeze %dma_wait3A_369 : memref<1x1x80xi32, #tpu.memory_space<vmem>> -> memref<80xi32, #tpu.memory_space<vmem>>
      %dma_wait3A_371 = arith.constant 0 : i32
      %dma_wait3A_372 = arith.constant 0 : i32
      %dma_wait3A_373 = tpu.memref_slice %arg2[%dma_wait3A_371, %dma_wait3A_372] : memref<10000x128xf32, #tpu.memory_space<hbm>> -> memref<10000x128xf32, #tpu.memory_space<hbm>>
      tpu.wait_indirect_dma semaphore(%arg16 : memref<!tpu.dma_semaphore, #tpu.memory_space<semaphore_mem>>) src(%dma_wait3A_373 : memref<10000x128xf32, #tpu.memory_space<hbm>>) dst(%arg11 : memref<80x128xf32, #tpu.memory_space<vmem>>)
      %dma_start3A_374 = arith.constant 0 : i32
      %dma_start3A_375 = tpu.memref_slice %arg5[%select_n3A_348, %add3A_367, %dma_start3A_374] : memref<2x64000x128xf32, #tpu.memory_space<hbm>> -> memref<1x80x128xf32, #tpu.memory_space<hbm>>
      %dma_start3A_376 = tpu.memref_squeeze %dma_start3A_375 : memref<1x80x128xf32, #tpu.memory_space<hbm>> -> memref<80x128xf32, #tpu.memory_space<hbm>>
      %dma_start3A_377 = arith.constant 0 : i32
      %dma_start3A_378 = tpu.memref_slice %arg5[%select_n3A_348, %add3A_367, %dma_start3A_377] : memref<2x64000x128xf32, #tpu.memory_space<hbm>> -> memref<1x80x128xf32, #tpu.memory_space<hbm>>
      %dma_start3A_379 = tpu.memref_squeeze %dma_start3A_378 : memref<1x80x128xf32, #tpu.memory_space<hbm>> -> memref<80x128xf32, #tpu.memory_space<hbm>>
      tpu.enqueue_dma source(%arg11 : memref<80x128xf32, #tpu.memory_space<vmem>>) target(%dma_start3A_379 : memref<80x128xf32, #tpu.memory_space<hbm>>) target_semaphore(%arg21 : memref<!tpu.dma_semaphore, #tpu.memory_space<semaphore_mem>>)
      %add3A_380 = arith.constant 1 : i32
      %add3A_381 = arith.addi %scan3A_94, %add3A_380 : i32
      %mul3A_382 = arith.constant 5 : i32
      %mul3A_383 = arith.muli %add3A_381, %mul3A_382 : i32
      %add3A_384 = arith.constant 0 : i32
      %add3A_385 = arith.addi %mul3A_383, %add3A_384 : i32
      %lt3A_386 = arith.constant 50 : i32
      %lt3A_387 = arith.cmpi slt, %add3A_385, %lt3A_386 : i32
      %convert_element_type3A = arith.extui %lt3A_387 : i1 to i32
      %cond3A = arith.constant 0 : i32
      %cond3A_388 = arith.cmpi ne, %convert_element_type3A, %cond3A : i32
      scf.if %cond3A_388 {
        %jit3A_433 = arith.constant 25 : i32
        %div3A_434 = arith.divsi %add3A_385, %jit3A_433 : i32
        %sign3A_435 = arith.constant 0 : i32
        %sign3A_436 = arith.cmpi sgt, %add3A_385, %sign3A_435 : i32
        %sign3A_437 = arith.extui %sign3A_436 : i1 to i32
        %sign3A_438 = arith.constant 0 : i32
        %sign3A_439 = arith.cmpi slt, %add3A_385, %sign3A_438 : i32
        %sign3A_440 = arith.extui %sign3A_439 : i1 to i32
        %sign3A_441 = arith.subi %sign3A_437, %sign3A_440 : i32
        %sign3A_442 = arith.constant 0 : i32
        %sign3A_443 = arith.cmpi sgt, %jit3A_433, %sign3A_442 : i32
        %sign3A_444 = arith.extui %sign3A_443 : i1 to i32
        %sign3A_445 = arith.constant 0 : i32
        %sign3A_446 = arith.cmpi slt, %jit3A_433, %sign3A_445 : i32
        %sign3A_447 = arith.extui %sign3A_446 : i1 to i32
        %sign3A_448 = arith.subi %sign3A_444, %sign3A_447 : i32
        %ne3A_449 = arith.cmpi ne, %sign3A_441, %sign3A_448 : i32
        %rem3A_450 = arith.remsi %add3A_385, %jit3A_433 : i32
        %ne3A_451 = arith.constant 0 : i32
        %ne3A_452 = arith.cmpi ne, %rem3A_450, %ne3A_451 : i32
        %and3A_453 = arith.andi %ne3A_449, %ne3A_452 : i1
        %sub3A_454 = arith.constant 1 : i32
        %sub3A_455 = arith.subi %div3A_434, %sub3A_454 : i32
        %select_n3A_456 = arith.select %and3A_453, %sub3A_455, %div3A_434 : i32
        %jit3A_457 = arith.constant 25 : i32
        %eq3A_458 = arith.constant 0 : i32
        %eq3A_459 = arith.cmpi eq, %jit3A_457, %eq3A_458 : i32
        %jit3A_460 = arith.constant 1 : i32
        %select_n3A_461 = arith.select %eq3A_459, %jit3A_460, %jit3A_457 : i32
        %rem3A_462 = arith.remsi %add3A_385, %select_n3A_461 : i32
        %ne3A_463 = arith.constant 0 : i32
        %ne3A_464 = arith.cmpi ne, %rem3A_462, %ne3A_463 : i32
        %lt3A_465 = arith.constant 0 : i32
        %lt3A_466 = arith.cmpi slt, %rem3A_462, %lt3A_465 : i32
        %lt3A_467 = arith.constant 0 : i32
        %lt3A_468 = arith.cmpi slt, %select_n3A_461, %lt3A_467 : i32
        %ne3A_469 = arith.xori %lt3A_466, %lt3A_468 : i1
        %and3A_470 = arith.andi %ne3A_469, %ne3A_464 : i1
        %add3A_471 = arith.addi %rem3A_462, %select_n3A_461 : i32
        %select_n3A_472 = arith.select %and3A_470, %add3A_471, %rem3A_462 : i32
        %mul3A_473 = arith.constant 80 : i32
        %mul3A_474 = arith.muli %select_n3A_472, %mul3A_473 : i32
        %add3A_475 = arith.addi %mul3A_2, %mul3A_474 : i32
        %dma_wait3A_476 = arith.constant 0 : i32
        %dma_wait3A_477 = tpu.memref_slice %arg5[%select_n3A_456, %add3A_475, %dma_wait3A_476] : memref<2x64000x128xf32, #tpu.memory_space<hbm>> -> memref<1x80x128xf32, #tpu.memory_space<hbm>>
        %dma_wait3A_478 = tpu.memref_squeeze %dma_wait3A_477 : memref<1x80x128xf32, #tpu.memory_space<hbm>> -> memref<80x128xf32, #tpu.memory_space<hbm>>
        %dma_wait3A_479 = arith.constant 0 : i32
        %dma_wait3A_480 = tpu.memref_slice %arg5[%select_n3A_456, %add3A_475, %dma_wait3A_479] : memref<2x64000x128xf32, #tpu.memory_space<hbm>> -> memref<1x80x128xf32, #tpu.memory_space<hbm>>
        %dma_wait3A_481 = tpu.memref_squeeze %dma_wait3A_480 : memref<1x80x128xf32, #tpu.memory_space<hbm>> -> memref<80x128xf32, #tpu.memory_space<hbm>>
        tpu.wait_dma2 semaphore(%arg17 : memref<!tpu.dma_semaphore, #tpu.memory_space<semaphore_mem>>) src(%arg7 : memref<80x128xf32, #tpu.memory_space<vmem>>) dst(%dma_wait3A_481 : memref<80x128xf32, #tpu.memory_space<hbm>>)
        %dma_start3A_482 = arith.constant 0 : i32
        %dma_start3A_483 = tpu.memref_slice %arg6[%select_n3A_456, %select_n3A_472, %dma_start3A_482] : memref<2x25x80xi32, #tpu.memory_space<vmem>> -> memref<1x1x80xi32, #tpu.memory_space<vmem>>
        %dma_start3A_484 = tpu.memref_squeeze %dma_start3A_483 : memref<1x1x80xi32, #tpu.memory_space<vmem>> -> memref<80xi32, #tpu.memory_space<vmem>>
        %dma_start3A_485 = arith.constant 0 : i32
        %dma_start3A_486 = arith.constant 0 : i32
        %dma_start3A_487 = tpu.memref_slice %arg2[%dma_start3A_485, %dma_start3A_486] : memref<10000x128xf32, #tpu.memory_space<hbm>> -> memref<10000x128xf32, #tpu.memory_space<hbm>>
        tpu.enqueue_indirect_dma source(%dma_start3A_487 : memref<10000x128xf32, #tpu.memory_space<hbm>>) target(%arg7 : memref<80x128xf32, #tpu.memory_space<vmem>>) offsets(%dma_start3A_484 : memref<80xi32, #tpu.memory_space<vmem>>) semaphore(%arg12 : memref<!tpu.dma_semaphore, #tpu.memory_space<semaphore_mem>>)
      } else {
      }
      %add3A_389 = arith.constant 1 : i32
      %add3A_390 = arith.addi %scan3A_94, %add3A_389 : i32
      %mul3A_391 = arith.constant 5 : i32
      %mul3A_392 = arith.muli %add3A_390, %mul3A_391 : i32
      %add3A_393 = arith.constant 1 : i32
      %add3A_394 = arith.addi %mul3A_392, %add3A_393 : i32
      %lt3A_395 = arith.constant 50 : i32
      %lt3A_396 = arith.cmpi slt, %add3A_394, %lt3A_395 : i32
      %convert_element_type3A_397 = arith.extui %lt3A_396 : i1 to i32
      %cond3A_398 = arith.constant 0 : i32
      %cond3A_399 = arith.cmpi ne, %convert_element_type3A_397, %cond3A_398 : i32
      scf.if %cond3A_399 {
        %jit3A_433 = arith.constant 25 : i32
        %div3A_434 = arith.divsi %add3A_394, %jit3A_433 : i32
        %sign3A_435 = arith.constant 0 : i32
        %sign3A_436 = arith.cmpi sgt, %add3A_394, %sign3A_435 : i32
        %sign3A_437 = arith.extui %sign3A_436 : i1 to i32
        %sign3A_438 = arith.constant 0 : i32
        %sign3A_439 = arith.cmpi slt, %add3A_394, %sign3A_438 : i32
        %sign3A_440 = arith.extui %sign3A_439 : i1 to i32
        %sign3A_441 = arith.subi %sign3A_437, %sign3A_440 : i32
        %sign3A_442 = arith.constant 0 : i32
        %sign3A_443 = arith.cmpi sgt, %jit3A_433, %sign3A_442 : i32
        %sign3A_444 = arith.extui %sign3A_443 : i1 to i32
        %sign3A_445 = arith.constant 0 : i32
        %sign3A_446 = arith.cmpi slt, %jit3A_433, %sign3A_445 : i32
        %sign3A_447 = arith.extui %sign3A_446 : i1 to i32
        %sign3A_448 = arith.subi %sign3A_444, %sign3A_447 : i32
        %ne3A_449 = arith.cmpi ne, %sign3A_441, %sign3A_448 : i32
        %rem3A_450 = arith.remsi %add3A_394, %jit3A_433 : i32
        %ne3A_451 = arith.constant 0 : i32
        %ne3A_452 = arith.cmpi ne, %rem3A_450, %ne3A_451 : i32
        %and3A_453 = arith.andi %ne3A_449, %ne3A_452 : i1
        %sub3A_454 = arith.constant 1 : i32
        %sub3A_455 = arith.subi %div3A_434, %sub3A_454 : i32
        %select_n3A_456 = arith.select %and3A_453, %sub3A_455, %div3A_434 : i32
        %jit3A_457 = arith.constant 25 : i32
        %eq3A_458 = arith.constant 0 : i32
        %eq3A_459 = arith.cmpi eq, %jit3A_457, %eq3A_458 : i32
        %jit3A_460 = arith.constant 1 : i32
        %select_n3A_461 = arith.select %eq3A_459, %jit3A_460, %jit3A_457 : i32
        %rem3A_462 = arith.remsi %add3A_394, %select_n3A_461 : i32
        %ne3A_463 = arith.constant 0 : i32
        %ne3A_464 = arith.cmpi ne, %rem3A_462, %ne3A_463 : i32
        %lt3A_465 = arith.constant 0 : i32
        %lt3A_466 = arith.cmpi slt, %rem3A_462, %lt3A_465 : i32
        %lt3A_467 = arith.constant 0 : i32
        %lt3A_468 = arith.cmpi slt, %select_n3A_461, %lt3A_467 : i32
        %ne3A_469 = arith.xori %lt3A_466, %lt3A_468 : i1
        %and3A_470 = arith.andi %ne3A_469, %ne3A_464 : i1
        %add3A_471 = arith.addi %rem3A_462, %select_n3A_461 : i32
        %select_n3A_472 = arith.select %and3A_470, %add3A_471, %rem3A_462 : i32
        %mul3A_473 = arith.constant 80 : i32
        %mul3A_474 = arith.muli %select_n3A_472, %mul3A_473 : i32
        %add3A_475 = arith.addi %mul3A_2, %mul3A_474 : i32
        %dma_wait3A_476 = arith.constant 0 : i32
        %dma_wait3A_477 = tpu.memref_slice %arg5[%select_n3A_456, %add3A_475, %dma_wait3A_476] : memref<2x64000x128xf32, #tpu.memory_space<hbm>> -> memref<1x80x128xf32, #tpu.memory_space<hbm>>
        %dma_wait3A_478 = tpu.memref_squeeze %dma_wait3A_477 : memref<1x80x128xf32, #tpu.memory_space<hbm>> -> memref<80x128xf32, #tpu.memory_space<hbm>>
        %dma_wait3A_479 = arith.constant 0 : i32
        %dma_wait3A_480 = tpu.memref_slice %arg5[%select_n3A_456, %add3A_475, %dma_wait3A_479] : memref<2x64000x128xf32, #tpu.memory_space<hbm>> -> memref<1x80x128xf32, #tpu.memory_space<hbm>>
        %dma_wait3A_481 = tpu.memref_squeeze %dma_wait3A_480 : memref<1x80x128xf32, #tpu.memory_space<hbm>> -> memref<80x128xf32, #tpu.memory_space<hbm>>
        tpu.wait_dma2 semaphore(%arg18 : memref<!tpu.dma_semaphore, #tpu.memory_space<semaphore_mem>>) src(%arg8 : memref<80x128xf32, #tpu.memory_space<vmem>>) dst(%dma_wait3A_481 : memref<80x128xf32, #tpu.memory_space<hbm>>)
        %dma_start3A_482 = arith.constant 0 : i32
        %dma_start3A_483 = tpu.memref_slice %arg6[%select_n3A_456, %select_n3A_472, %dma_start3A_482] : memref<2x25x80xi32, #tpu.memory_space<vmem>> -> memref<1x1x80xi32, #tpu.memory_space<vmem>>
        %dma_start3A_484 = tpu.memref_squeeze %dma_start3A_483 : memref<1x1x80xi32, #tpu.memory_space<vmem>> -> memref<80xi32, #tpu.memory_space<vmem>>
        %dma_start3A_485 = arith.constant 0 : i32
        %dma_start3A_486 = arith.constant 0 : i32
        %dma_start3A_487 = tpu.memref_slice %arg2[%dma_start3A_485, %dma_start3A_486] : memref<10000x128xf32, #tpu.memory_space<hbm>> -> memref<10000x128xf32, #tpu.memory_space<hbm>>
        tpu.enqueue_indirect_dma source(%dma_start3A_487 : memref<10000x128xf32, #tpu.memory_space<hbm>>) target(%arg8 : memref<80x128xf32, #tpu.memory_space<vmem>>) offsets(%dma_start3A_484 : memref<80xi32, #tpu.memory_space<vmem>>) semaphore(%arg13 : memref<!tpu.dma_semaphore, #tpu.memory_space<semaphore_mem>>)
      } else {
      }
      %add3A_400 = arith.constant 1 : i32
      %add3A_401 = arith.addi %scan3A_94, %add3A_400 : i32
      %mul3A_402 = arith.constant 5 : i32
      %mul3A_403 = arith.muli %add3A_401, %mul3A_402 : i32
      %add3A_404 = arith.constant 2 : i32
      %add3A_405 = arith.addi %mul3A_403, %add3A_404 : i32
      %lt3A_406 = arith.constant 50 : i32
      %lt3A_407 = arith.cmpi slt, %add3A_405, %lt3A_406 : i32
      %convert_element_type3A_408 = arith.extui %lt3A_407 : i1 to i32
      %cond3A_409 = arith.constant 0 : i32
      %cond3A_410 = arith.cmpi ne, %convert_element_type3A_408, %cond3A_409 : i32
      scf.if %cond3A_410 {
        %jit3A_433 = arith.constant 25 : i32
        %div3A_434 = arith.divsi %add3A_405, %jit3A_433 : i32
        %sign3A_435 = arith.constant 0 : i32
        %sign3A_436 = arith.cmpi sgt, %add3A_405, %sign3A_435 : i32
        %sign3A_437 = arith.extui %sign3A_436 : i1 to i32
        %sign3A_438 = arith.constant 0 : i32
        %sign3A_439 = arith.cmpi slt, %add3A_405, %sign3A_438 : i32
        %sign3A_440 = arith.extui %sign3A_439 : i1 to i32
        %sign3A_441 = arith.subi %sign3A_437, %sign3A_440 : i32
        %sign3A_442 = arith.constant 0 : i32
        %sign3A_443 = arith.cmpi sgt, %jit3A_433, %sign3A_442 : i32
        %sign3A_444 = arith.extui %sign3A_443 : i1 to i32
        %sign3A_445 = arith.constant 0 : i32
        %sign3A_446 = arith.cmpi slt, %jit3A_433, %sign3A_445 : i32
        %sign3A_447 = arith.extui %sign3A_446 : i1 to i32
        %sign3A_448 = arith.subi %sign3A_444, %sign3A_447 : i32
        %ne3A_449 = arith.cmpi ne, %sign3A_441, %sign3A_448 : i32
        %rem3A_450 = arith.remsi %add3A_405, %jit3A_433 : i32
        %ne3A_451 = arith.constant 0 : i32
        %ne3A_452 = arith.cmpi ne, %rem3A_450, %ne3A_451 : i32
        %and3A_453 = arith.andi %ne3A_449, %ne3A_452 : i1
        %sub3A_454 = arith.constant 1 : i32
        %sub3A_455 = arith.subi %div3A_434, %sub3A_454 : i32
        %select_n3A_456 = arith.select %and3A_453, %sub3A_455, %div3A_434 : i32
        %jit3A_457 = arith.constant 25 : i32
        %eq3A_458 = arith.constant 0 : i32
        %eq3A_459 = arith.cmpi eq, %jit3A_457, %eq3A_458 : i32
        %jit3A_460 = arith.constant 1 : i32
        %select_n3A_461 = arith.select %eq3A_459, %jit3A_460, %jit3A_457 : i32
        %rem3A_462 = arith.remsi %add3A_405, %select_n3A_461 : i32
        %ne3A_463 = arith.constant 0 : i32
        %ne3A_464 = arith.cmpi ne, %rem3A_462, %ne3A_463 : i32
        %lt3A_465 = arith.constant 0 : i32
        %lt3A_466 = arith.cmpi slt, %rem3A_462, %lt3A_465 : i32
        %lt3A_467 = arith.constant 0 : i32
        %lt3A_468 = arith.cmpi slt, %select_n3A_461, %lt3A_467 : i32
        %ne3A_469 = arith.xori %lt3A_466, %lt3A_468 : i1
        %and3A_470 = arith.andi %ne3A_469, %ne3A_464 : i1
        %add3A_471 = arith.addi %rem3A_462, %select_n3A_461 : i32
        %select_n3A_472 = arith.select %and3A_470, %add3A_471, %rem3A_462 : i32
        %mul3A_473 = arith.constant 80 : i32
        %mul3A_474 = arith.muli %select_n3A_472, %mul3A_473 : i32
        %add3A_475 = arith.addi %mul3A_2, %mul3A_474 : i32
        %dma_wait3A_476 = arith.constant 0 : i32
        %dma_wait3A_477 = tpu.memref_slice %arg5[%select_n3A_456, %add3A_475, %dma_wait3A_476] : memref<2x64000x128xf32, #tpu.memory_space<hbm>> -> memref<1x80x128xf32, #tpu.memory_space<hbm>>
        %dma_wait3A_478 = tpu.memref_squeeze %dma_wait3A_477 : memref<1x80x128xf32, #tpu.memory_space<hbm>> -> memref<80x128xf32, #tpu.memory_space<hbm>>
        %dma_wait3A_479 = arith.constant 0 : i32
        %dma_wait3A_480 = tpu.memref_slice %arg5[%select_n3A_456, %add3A_475, %dma_wait3A_479] : memref<2x64000x128xf32, #tpu.memory_space<hbm>> -> memref<1x80x128xf32, #tpu.memory_space<hbm>>
        %dma_wait3A_481 = tpu.memref_squeeze %dma_wait3A_480 : memref<1x80x128xf32, #tpu.memory_space<hbm>> -> memref<80x128xf32, #tpu.memory_space<hbm>>
        tpu.wait_dma2 semaphore(%arg19 : memref<!tpu.dma_semaphore, #tpu.memory_space<semaphore_mem>>) src(%arg9 : memref<80x128xf32, #tpu.memory_space<vmem>>) dst(%dma_wait3A_481 : memref<80x128xf32, #tpu.memory_space<hbm>>)
        %dma_start3A_482 = arith.constant 0 : i32
        %dma_start3A_483 = tpu.memref_slice %arg6[%select_n3A_456, %select_n3A_472, %dma_start3A_482] : memref<2x25x80xi32, #tpu.memory_space<vmem>> -> memref<1x1x80xi32, #tpu.memory_space<vmem>>
        %dma_start3A_484 = tpu.memref_squeeze %dma_start3A_483 : memref<1x1x80xi32, #tpu.memory_space<vmem>> -> memref<80xi32, #tpu.memory_space<vmem>>
        %dma_start3A_485 = arith.constant 0 : i32
        %dma_start3A_486 = arith.constant 0 : i32
        %dma_start3A_487 = tpu.memref_slice %arg2[%dma_start3A_485, %dma_start3A_486] : memref<10000x128xf32, #tpu.memory_space<hbm>> -> memref<10000x128xf32, #tpu.memory_space<hbm>>
        tpu.enqueue_indirect_dma source(%dma_start3A_487 : memref<10000x128xf32, #tpu.memory_space<hbm>>) target(%arg9 : memref<80x128xf32, #tpu.memory_space<vmem>>) offsets(%dma_start3A_484 : memref<80xi32, #tpu.memory_space<vmem>>) semaphore(%arg14 : memref<!tpu.dma_semaphore, #tpu.memory_space<semaphore_mem>>)
      } else {
      }
      %add3A_411 = arith.constant 1 : i32
      %add3A_412 = arith.addi %scan3A_94, %add3A_411 : i32
      %mul3A_413 = arith.constant 5 : i32
      %mul3A_414 = arith.muli %add3A_412, %mul3A_413 : i32
      %add3A_415 = arith.constant 3 : i32
      %add3A_416 = arith.addi %mul3A_414, %add3A_415 : i32
      %lt3A_417 = arith.constant 50 : i32
      %lt3A_418 = arith.cmpi slt, %add3A_416, %lt3A_417 : i32
      %convert_element_type3A_419 = arith.extui %lt3A_418 : i1 to i32
      %cond3A_420 = arith.constant 0 : i32
      %cond3A_421 = arith.cmpi ne, %convert_element_type3A_419, %cond3A_420 : i32
      scf.if %cond3A_421 {
        %jit3A_433 = arith.constant 25 : i32
        %div3A_434 = arith.divsi %add3A_416, %jit3A_433 : i32
        %sign3A_435 = arith.constant 0 : i32
        %sign3A_436 = arith.cmpi sgt, %add3A_416, %sign3A_435 : i32
        %sign3A_437 = arith.extui %sign3A_436 : i1 to i32
        %sign3A_438 = arith.constant 0 : i32
        %sign3A_439 = arith.cmpi slt, %add3A_416, %sign3A_438 : i32
        %sign3A_440 = arith.extui %sign3A_439 : i1 to i32
        %sign3A_441 = arith.subi %sign3A_437, %sign3A_440 : i32
        %sign3A_442 = arith.constant 0 : i32
        %sign3A_443 = arith.cmpi sgt, %jit3A_433, %sign3A_442 : i32
        %sign3A_444 = arith.extui %sign3A_443 : i1 to i32
        %sign3A_445 = arith.constant 0 : i32
        %sign3A_446 = arith.cmpi slt, %jit3A_433, %sign3A_445 : i32
        %sign3A_447 = arith.extui %sign3A_446 : i1 to i32
        %sign3A_448 = arith.subi %sign3A_444, %sign3A_447 : i32
        %ne3A_449 = arith.cmpi ne, %sign3A_441, %sign3A_448 : i32
        %rem3A_450 = arith.remsi %add3A_416, %jit3A_433 : i32
        %ne3A_451 = arith.constant 0 : i32
        %ne3A_452 = arith.cmpi ne, %rem3A_450, %ne3A_451 : i32
        %and3A_453 = arith.andi %ne3A_449, %ne3A_452 : i1
        %sub3A_454 = arith.constant 1 : i32
        %sub3A_455 = arith.subi %div3A_434, %sub3A_454 : i32
        %select_n3A_456 = arith.select %and3A_453, %sub3A_455, %div3A_434 : i32
        %jit3A_457 = arith.constant 25 : i32
        %eq3A_458 = arith.constant 0 : i32
        %eq3A_459 = arith.cmpi eq, %jit3A_457, %eq3A_458 : i32
        %jit3A_460 = arith.constant 1 : i32
        %select_n3A_461 = arith.select %eq3A_459, %jit3A_460, %jit3A_457 : i32
        %rem3A_462 = arith.remsi %add3A_416, %select_n3A_461 : i32
        %ne3A_463 = arith.constant 0 : i32
        %ne3A_464 = arith.cmpi ne, %rem3A_462, %ne3A_463 : i32
        %lt3A_465 = arith.constant 0 : i32
        %lt3A_466 = arith.cmpi slt, %rem3A_462, %lt3A_465 : i32
        %lt3A_467 = arith.constant 0 : i32
        %lt3A_468 = arith.cmpi slt, %select_n3A_461, %lt3A_467 : i32
        %ne3A_469 = arith.xori %lt3A_466, %lt3A_468 : i1
        %and3A_470 = arith.andi %ne3A_469, %ne3A_464 : i1
        %add3A_471 = arith.addi %rem3A_462, %select_n3A_461 : i32
        %select_n3A_472 = arith.select %and3A_470, %add3A_471, %rem3A_462 : i32
        %mul3A_473 = arith.constant 80 : i32
        %mul3A_474 = arith.muli %select_n3A_472, %mul3A_473 : i32
        %add3A_475 = arith.addi %mul3A_2, %mul3A_474 : i32
        %dma_wait3A_476 = arith.constant 0 : i32
        %dma_wait3A_477 = tpu.memref_slice %arg5[%select_n3A_456, %add3A_475, %dma_wait3A_476] : memref<2x64000x128xf32, #tpu.memory_space<hbm>> -> memref<1x80x128xf32, #tpu.memory_space<hbm>>
        %dma_wait3A_478 = tpu.memref_squeeze %dma_wait3A_477 : memref<1x80x128xf32, #tpu.memory_space<hbm>> -> memref<80x128xf32, #tpu.memory_space<hbm>>
        %dma_wait3A_479 = arith.constant 0 : i32
        %dma_wait3A_480 = tpu.memref_slice %arg5[%select_n3A_456, %add3A_475, %dma_wait3A_479] : memref<2x64000x128xf32, #tpu.memory_space<hbm>> -> memref<1x80x128xf32, #tpu.memory_space<hbm>>
        %dma_wait3A_481 = tpu.memref_squeeze %dma_wait3A_480 : memref<1x80x128xf32, #tpu.memory_space<hbm>> -> memref<80x128xf32, #tpu.memory_space<hbm>>
        tpu.wait_dma2 semaphore(%arg20 : memref<!tpu.dma_semaphore, #tpu.memory_space<semaphore_mem>>) src(%arg10 : memref<80x128xf32, #tpu.memory_space<vmem>>) dst(%dma_wait3A_481 : memref<80x128xf32, #tpu.memory_space<hbm>>)
        %dma_start3A_482 = arith.constant 0 : i32
        %dma_start3A_483 = tpu.memref_slice %arg6[%select_n3A_456, %select_n3A_472, %dma_start3A_482] : memref<2x25x80xi32, #tpu.memory_space<vmem>> -> memref<1x1x80xi32, #tpu.memory_space<vmem>>
        %dma_start3A_484 = tpu.memref_squeeze %dma_start3A_483 : memref<1x1x80xi32, #tpu.memory_space<vmem>> -> memref<80xi32, #tpu.memory_space<vmem>>
        %dma_start3A_485 = arith.constant 0 : i32
        %dma_start3A_486 = arith.constant 0 : i32
        %dma_start3A_487 = tpu.memref_slice %arg2[%dma_start3A_485, %dma_start3A_486] : memref<10000x128xf32, #tpu.memory_space<hbm>> -> memref<10000x128xf32, #tpu.memory_space<hbm>>
        tpu.enqueue_indirect_dma source(%dma_start3A_487 : memref<10000x128xf32, #tpu.memory_space<hbm>>) target(%arg10 : memref<80x128xf32, #tpu.memory_space<vmem>>) offsets(%dma_start3A_484 : memref<80xi32, #tpu.memory_space<vmem>>) semaphore(%arg15 : memref<!tpu.dma_semaphore, #tpu.memory_space<semaphore_mem>>)
      } else {
      }
      %add3A_422 = arith.constant 1 : i32
      %add3A_423 = arith.addi %scan3A_94, %add3A_422 : i32
      %mul3A_424 = arith.constant 5 : i32
      %mul3A_425 = arith.muli %add3A_423, %mul3A_424 : i32
      %add3A_426 = arith.constant 4 : i32
      %add3A_427 = arith.addi %mul3A_425, %add3A_426 : i32
      %lt3A_428 = arith.constant 50 : i32
      %lt3A_429 = arith.cmpi slt, %add3A_427, %lt3A_428 : i32
      %convert_element_type3A_430 = arith.extui %lt3A_429 : i1 to i32
      %cond3A_431 = arith.constant 0 : i32
      %cond3A_432 = arith.cmpi ne, %convert_element_type3A_430, %cond3A_431 : i32
      scf.if %cond3A_432 {
        %jit3A_433 = arith.constant 25 : i32
        %div3A_434 = arith.divsi %add3A_427, %jit3A_433 : i32
        %sign3A_435 = arith.constant 0 : i32
        %sign3A_436 = arith.cmpi sgt, %add3A_427, %sign3A_435 : i32
        %sign3A_437 = arith.extui %sign3A_436 : i1 to i32
        %sign3A_438 = arith.constant 0 : i32
        %sign3A_439 = arith.cmpi slt, %add3A_427, %sign3A_438 : i32
        %sign3A_440 = arith.extui %sign3A_439 : i1 to i32
        %sign3A_441 = arith.subi %sign3A_437, %sign3A_440 : i32
        %sign3A_442 = arith.constant 0 : i32
        %sign3A_443 = arith.cmpi sgt, %jit3A_433, %sign3A_442 : i32
        %sign3A_444 = arith.extui %sign3A_443 : i1 to i32
        %sign3A_445 = arith.constant 0 : i32
        %sign3A_446 = arith.cmpi slt, %jit3A_433, %sign3A_445 : i32
        %sign3A_447 = arith.extui %sign3A_446 : i1 to i32
        %sign3A_448 = arith.subi %sign3A_444, %sign3A_447 : i32
        %ne3A_449 = arith.cmpi ne, %sign3A_441, %sign3A_448 : i32
        %rem3A_450 = arith.remsi %add3A_427, %jit3A_433 : i32
        %ne3A_451 = arith.constant 0 : i32
        %ne3A_452 = arith.cmpi ne, %rem3A_450, %ne3A_451 : i32
        %and3A_453 = arith.andi %ne3A_449, %ne3A_452 : i1
        %sub3A_454 = arith.constant 1 : i32
        %sub3A_455 = arith.subi %div3A_434, %sub3A_454 : i32
        %select_n3A_456 = arith.select %and3A_453, %sub3A_455, %div3A_434 : i32
        %jit3A_457 = arith.constant 25 : i32
        %eq3A_458 = arith.constant 0 : i32
        %eq3A_459 = arith.cmpi eq, %jit3A_457, %eq3A_458 : i32
        %jit3A_460 = arith.constant 1 : i32
        %select_n3A_461 = arith.select %eq3A_459, %jit3A_460, %jit3A_457 : i32
        %rem3A_462 = arith.remsi %add3A_427, %select_n3A_461 : i32
        %ne3A_463 = arith.constant 0 : i32
        %ne3A_464 = arith.cmpi ne, %rem3A_462, %ne3A_463 : i32
        %lt3A_465 = arith.constant 0 : i32
        %lt3A_466 = arith.cmpi slt, %rem3A_462, %lt3A_465 : i32
        %lt3A_467 = arith.constant 0 : i32
        %lt3A_468 = arith.cmpi slt, %select_n3A_461, %lt3A_467 : i32
        %ne3A_469 = arith.xori %lt3A_466, %lt3A_468 : i1
        %and3A_470 = arith.andi %ne3A_469, %ne3A_464 : i1
        %add3A_471 = arith.addi %rem3A_462, %select_n3A_461 : i32
        %select_n3A_472 = arith.select %and3A_470, %add3A_471, %rem3A_462 : i32
        %mul3A_473 = arith.constant 80 : i32
        %mul3A_474 = arith.muli %select_n3A_472, %mul3A_473 : i32
        %add3A_475 = arith.addi %mul3A_2, %mul3A_474 : i32
        %dma_wait3A_476 = arith.constant 0 : i32
        %dma_wait3A_477 = tpu.memref_slice %arg5[%select_n3A_456, %add3A_475, %dma_wait3A_476] : memref<2x64000x128xf32, #tpu.memory_space<hbm>> -> memref<1x80x128xf32, #tpu.memory_space<hbm>>
        %dma_wait3A_478 = tpu.memref_squeeze %dma_wait3A_477 : memref<1x80x128xf32, #tpu.memory_space<hbm>> -> memref<80x128xf32, #tpu.memory_space<hbm>>
        %dma_wait3A_479 = arith.constant 0 : i32
        %dma_wait3A_480 = tpu.memref_slice %arg5[%select_n3A_456, %add3A_475, %dma_wait3A_479] : memref<2x64000x128xf32, #tpu.memory_space<hbm>> -> memref<1x80x128xf32, #tpu.memory_space<hbm>>
        %dma_wait3A_481 = tpu.memref_squeeze %dma_wait3A_480 : memref<1x80x128xf32, #tpu.memory_space<hbm>> -> memref<80x128xf32, #tpu.memory_space<hbm>>
        tpu.wait_dma2 semaphore(%arg21 : memref<!tpu.dma_semaphore, #tpu.memory_space<semaphore_mem>>) src(%arg11 : memref<80x128xf32, #tpu.memory_space<vmem>>) dst(%dma_wait3A_481 : memref<80x128xf32, #tpu.memory_space<hbm>>)
        %dma_start3A_482 = arith.constant 0 : i32
        %dma_start3A_483 = tpu.memref_slice %arg6[%select_n3A_456, %select_n3A_472, %dma_start3A_482] : memref<2x25x80xi32, #tpu.memory_space<vmem>> -> memref<1x1x80xi32, #tpu.memory_space<vmem>>
        %dma_start3A_484 = tpu.memref_squeeze %dma_start3A_483 : memref<1x1x80xi32, #tpu.memory_space<vmem>> -> memref<80xi32, #tpu.memory_space<vmem>>
        %dma_start3A_485 = arith.constant 0 : i32
        %dma_start3A_486 = arith.constant 0 : i32
        %dma_start3A_487 = tpu.memref_slice %arg2[%dma_start3A_485, %dma_start3A_486] : memref<10000x128xf32, #tpu.memory_space<hbm>> -> memref<10000x128xf32, #tpu.memory_space<hbm>>
        tpu.enqueue_indirect_dma source(%dma_start3A_487 : memref<10000x128xf32, #tpu.memory_space<hbm>>) target(%arg11 : memref<80x128xf32, #tpu.memory_space<vmem>>) offsets(%dma_start3A_484 : memref<80xi32, #tpu.memory_space<vmem>>) semaphore(%arg16 : memref<!tpu.dma_semaphore, #tpu.memory_space<semaphore_mem>>)
      } else {
      }
    }
    %scan3A_59 = arith.constant 10 : i32
    %dma_wait3A = arith.constant 0 : i32
    %dma_wait3A_60 = arith.constant 0 : i32
    %dma_wait3A_61 = tpu.memref_slice %arg5[%dma_wait3A, %mul3A_2, %dma_wait3A_60] : memref<2x64000x128xf32, #tpu.memory_space<hbm>> -> memref<1x80x128xf32, #tpu.memory_space<hbm>>
    %dma_wait3A_62 = tpu.memref_squeeze %dma_wait3A_61 : memref<1x80x128xf32, #tpu.memory_space<hbm>> -> memref<80x128xf32, #tpu.memory_space<hbm>>
    %dma_wait3A_63 = arith.constant 0 : i32
    %dma_wait3A_64 = tpu.memref_slice %arg5[%dma_wait3A, %mul3A_2, %dma_wait3A_63] : memref<2x64000x128xf32, #tpu.memory_space<hbm>> -> memref<1x80x128xf32, #tpu.memory_space<hbm>>
    %dma_wait3A_65 = tpu.memref_squeeze %dma_wait3A_64 : memref<1x80x128xf32, #tpu.memory_space<hbm>> -> memref<80x128xf32, #tpu.memory_space<hbm>>
    tpu.wait_dma2 semaphore(%arg17 : memref<!tpu.dma_semaphore, #tpu.memory_space<semaphore_mem>>) src(%arg7 : memref<80x128xf32, #tpu.memory_space<vmem>>) dst(%dma_wait3A_65 : memref<80x128xf32, #tpu.memory_space<hbm>>)
    %dma_wait3A_66 = arith.constant 0 : i32
    %dma_wait3A_67 = arith.constant 0 : i32
    %dma_wait3A_68 = tpu.memref_slice %arg5[%dma_wait3A_66, %mul3A_2, %dma_wait3A_67] : memref<2x64000x128xf32, #tpu.memory_space<hbm>> -> memref<1x80x128xf32, #tpu.memory_space<hbm>>
    %dma_wait3A_69 = tpu.memref_squeeze %dma_wait3A_68 : memref<1x80x128xf32, #tpu.memory_space<hbm>> -> memref<80x128xf32, #tpu.memory_space<hbm>>
    %dma_wait3A_70 = arith.constant 0 : i32
    %dma_wait3A_71 = tpu.memref_slice %arg5[%dma_wait3A_66, %mul3A_2, %dma_wait3A_70] : memref<2x64000x128xf32, #tpu.memory_space<hbm>> -> memref<1x80x128xf32, #tpu.memory_space<hbm>>
    %dma_wait3A_72 = tpu.memref_squeeze %dma_wait3A_71 : memref<1x80x128xf32, #tpu.memory_space<hbm>> -> memref<80x128xf32, #tpu.memory_space<hbm>>
    tpu.wait_dma2 semaphore(%arg18 : memref<!tpu.dma_semaphore, #tpu.memory_space<semaphore_mem>>) src(%arg8 : memref<80x128xf32, #tpu.memory_space<vmem>>) dst(%dma_wait3A_72 : memref<80x128xf32, #tpu.memory_space<hbm>>)
    %dma_wait3A_73 = arith.constant 0 : i32
    %dma_wait3A_74 = arith.constant 0 : i32
    %dma_wait3A_75 = tpu.memref_slice %arg5[%dma_wait3A_73, %mul3A_2, %dma_wait3A_74] : memref<2x64000x128xf32, #tpu.memory_space<hbm>> -> memref<1x80x128xf32, #tpu.memory_space<hbm>>
    %dma_wait3A_76 = tpu.memref_squeeze %dma_wait3A_75 : memref<1x80x128xf32, #tpu.memory_space<hbm>> -> memref<80x128xf32, #tpu.memory_space<hbm>>
    %dma_wait3A_77 = arith.constant 0 : i32
    %dma_wait3A_78 = tpu.memref_slice %arg5[%dma_wait3A_73, %mul3A_2, %dma_wait3A_77] : memref<2x64000x128xf32, #tpu.memory_space<hbm>> -> memref<1x80x128xf32, #tpu.memory_space<hbm>>
    %dma_wait3A_79 = tpu.memref_squeeze %dma_wait3A_78 : memref<1x80x128xf32, #tpu.memory_space<hbm>> -> memref<80x128xf32, #tpu.memory_space<hbm>>
    tpu.wait_dma2 semaphore(%arg19 : memref<!tpu.dma_semaphore, #tpu.memory_space<semaphore_mem>>) src(%arg9 : memref<80x128xf32, #tpu.memory_space<vmem>>) dst(%dma_wait3A_79 : memref<80x128xf32, #tpu.memory_space<hbm>>)
    %dma_wait3A_80 = arith.constant 0 : i32
    %dma_wait3A_81 = arith.constant 0 : i32
    %dma_wait3A_82 = tpu.memref_slice %arg5[%dma_wait3A_80, %mul3A_2, %dma_wait3A_81] : memref<2x64000x128xf32, #tpu.memory_space<hbm>> -> memref<1x80x128xf32, #tpu.memory_space<hbm>>
    %dma_wait3A_83 = tpu.memref_squeeze %dma_wait3A_82 : memref<1x80x128xf32, #tpu.memory_space<hbm>> -> memref<80x128xf32, #tpu.memory_space<hbm>>
    %dma_wait3A_84 = arith.constant 0 : i32
    %dma_wait3A_85 = tpu.memref_slice %arg5[%dma_wait3A_80, %mul3A_2, %dma_wait3A_84] : memref<2x64000x128xf32, #tpu.memory_space<hbm>> -> memref<1x80x128xf32, #tpu.memory_space<hbm>>
    %dma_wait3A_86 = tpu.memref_squeeze %dma_wait3A_85 : memref<1x80x128xf32, #tpu.memory_space<hbm>> -> memref<80x128xf32, #tpu.memory_space<hbm>>
    tpu.wait_dma2 semaphore(%arg20 : memref<!tpu.dma_semaphore, #tpu.memory_space<semaphore_mem>>) src(%arg10 : memref<80x128xf32, #tpu.memory_space<vmem>>) dst(%dma_wait3A_86 : memref<80x128xf32, #tpu.memory_space<hbm>>)
    %dma_wait3A_87 = arith.constant 0 : i32
    %dma_wait3A_88 = arith.constant 0 : i32
    %dma_wait3A_89 = tpu.memref_slice %arg5[%dma_wait3A_87, %mul3A_2, %dma_wait3A_88] : memref<2x64000x128xf32, #tpu.memory_space<hbm>> -> memref<1x80x128xf32, #tpu.memory_space<hbm>>
    %dma_wait3A_90 = tpu.memref_squeeze %dma_wait3A_89 : memref<1x80x128xf32, #tpu.memory_space<hbm>> -> memref<80x128xf32, #tpu.memory_space<hbm>>
    %dma_wait3A_91 = arith.constant 0 : i32
    %dma_wait3A_92 = tpu.memref_slice %arg5[%dma_wait3A_87, %mul3A_2, %dma_wait3A_91] : memref<2x64000x128xf32, #tpu.memory_space<hbm>> -> memref<1x80x128xf32, #tpu.memory_space<hbm>>
    %dma_wait3A_93 = tpu.memref_squeeze %dma_wait3A_92 : memref<1x80x128xf32, #tpu.memory_space<hbm>> -> memref<80x128xf32, #tpu.memory_space<hbm>>
    tpu.wait_dma2 semaphore(%arg21 : memref<!tpu.dma_semaphore, #tpu.memory_space<semaphore_mem>>) src(%arg11 : memref<80x128xf32, #tpu.memory_space<vmem>>) dst(%dma_wait3A_93 : memref<80x128xf32, #tpu.memory_space<hbm>>)
    return
  }
}

</mosaic_0001>

<sc_bundles>
// kernel: _gather.3.cloned.1.call-start
scs
__scs_entry_jumppad:
0x0: {  	(pc) =	sbr.rel $0x88, $3  }
0x1: {  	(tag) =	ssettag $0x0;
	lr =	simm.s32 $0x1  }
0x2: {  	[smem:$0x3F9E] =	sst lr;
	_ =	strace $0xD0000000  }
0x3: {  	_ = 	snop  }
0x4: {  	_ = 	snop  }
0x5: {  	_ = 	snop  }
0x6: {  	_ = 	snop  }
0x7: {  	_ = 	snop  }
__scs_overlays_trampoline_lowered:
0x8: {  	[smem:$0x3FAD] =	sst s0  }
0x9: {  	[smem:$0x3FAE] =	sst s1  }
0xa: {  	[smem:$0x3FAF] =	sst s2  }
0xb: {  	[smem:$0x3FB0] =	sst s3  }
0xc: {  	[smem:$0x3FB1] =	sst s4  }
0xd: {  	[smem:$0x3FB2] =	sst s5  }
0xe: {  	[smem:$0x3FB3] =	sst s6  }
0xf: {  	[smem:$0x3FB4] =	sst s7  }
0x10: {  	[smem:$0x3FB5] =	sst s8  }
0x11: {  	[smem:$0x3FB6] =	sst s9;
	s0 =	simm.s32 @!p0 $0x0  }
0x12: {  	s1 =	sld [smem:$0x3F9C];
	s0 =	simm.s32 @p0 $0x1  }
0x13: {  	[smem:$0x3FB7] =	sst s0;
	s0 =	simm.s32 @!p1 $0x0  }
0x14: {  	s2 =	sld [smem:$0x3F9B];
	s0 =	simm.s32 @p1 $0x1  }
0x15: {  	[smem:$0x3FB8] =	sst s0;
	s0 =	simm.s32 @!p2 $0x0  }
0x16: {  	s3 =	sld [smem:$0x3FDB];
	s0 =	simm.s32 @p2 $0x1  }
0x17: {  	s4 =	simm.s32 $0x1BF5;
	[smem:$0x3FBA] =	sst s0  }
0x18: {  	s0 =	sld [smem:$0x3F9D];
	_ =	swait.ge [sflag:s4], $0x0  }
0x19: {  	s7 =	sld [smem:$0x3F9E]  }
0x1a: {  	s8 =	sadd.s32 $0xFFFFE003, lr  }
0x1b: {  	s9 =	sadd.s32 $0xFFFFFEF7, lr;
	s5 =	simm.s32 $0xFFFFFFFF;
	p2 =	slt.u32 s8, $0xFFFFF086  }
0x1c: {  	p1 =	slt.u32 s9, $0xF7A;
	s5 =	simm.s32 @!p2 $0x0  }
0x1d: {  	s5 =	simm.s32 @p1 $0x1;
	p0 =	seq.s32 s7, s2  }
0x1e: {  	s7 =	smul.u32 @!p0 $0xF7A, s2;
	p2 =	seq.s32 @!p0 s5, $0x0  }
0x1f: {  	s9 =	smul.u32 $0xF7A, s1;
	s8 =	simm.s32 @!p0 $0x1BF5;
	p2 =	por !p2, p0  }
0x20: {  	[sflag:s8] =	ssyncset.s32 @!p0 $0xFFFFF086;
	s6 =	sadd.s32 @!p0 s3, s7;
	s7 =	simm.s32 @!p0 $0x108  }
0x21: {  	s3 =	sadd.s32 s3, s9;
	s6 =	sadd.s32 @!p0 $0x88, s6;
	s7 =	simm.s32 @p2 $0x1082  }
0x22: {  	[simem:s7], [sflag:s8] =	dma.local @!p0 [hbm:s6], $0xF7A  }
0x23: {  	s9 =	sor.u32 $0xD0000000, s2;
	s6 =	simm.s32 $0x108;
	_ =	swait.ge @!p0 [sflag:s8], $0x0  }
0x24: {  	s3 =	sadd.s32 $0x88, s3;
	s6 =	simm.s32 @!p1 $0x1082;
	[sflag:s4] =	ssyncset.s32 $0xFFFFF086  }
0x25: {  	[simem:s6], [sflag:s4] =	dma.local [hbm:s3], $0xF7A  }
0x26: {  	[smem:$0x3F9E] =	sst s1;
	(tag) =	ssettag s2;
	_ =	strace s9  }
0x27: {  	s1 =	sld [smem:$0x3FAE]  }
0x28: {  	s2 =	sld [smem:$0x3FAF]  }
0x29: {  	s4 =	sld [smem:$0x3FB1]  }
0x2a: {  	p0 =	seq.s32 s5, $0x0;
	s5 =	sld [smem:$0x3FB2]  }
0x2b: {  	s6 =	sld [smem:$0x3FB3]  }
0x2c: {  	s7 =	sld [smem:$0x3FB4]  }
0x2d: {  	s3 =	simm.s32 $0x108;
	s8 =	sld [smem:$0x3FB5]  }
0x2e: {  	s3 =	simm.s32 @!p0 $0x1082;
	s9 =	sld [smem:$0x3FB6]  }
0x2f: {  	lr =	sadd.s32 s0, s3;
	s0 =	sld [smem:$0x3FAD]  }
0x30: {  	s3 =	sld [smem:$0x3FB0]  }
0x31: {  	[smem:$0x3FB9] =	sst s10  }
0x32: {  	s10 =	sld [smem:$0x3FB7];
	_ =	sdelay $0x3  }
0x33: {  	p0 =	seq.s32 s10, $0x1;
	s10 =	sld [smem:$0x3FB9];
	_ =	sdelay $0x3  }
0x34: {  	[smem:$0x3FB9] =	sst s10  }
0x35: {  	s10 =	sld [smem:$0x3FB8];
	_ =	sdelay $0x3  }
0x36: {  	p1 =	seq.s32 s10, $0x1;
	s10 =	sld [smem:$0x3FB9];
	_ =	sdelay $0x3  }
0x37: {  	[smem:$0x3FB9] =	sst s10  }
0x38: {  	s10 =	sld [smem:$0x3FBA]  }
0x39: {  	_ = 	snop;
	(pc) =	sbr.ind lr, $3  }
0x3a: {  	_ = 	snop  }
0x3b: {  	_ = 	snop  }
0x3c: {  	p2 =	seq.s32 s10, $0x1;
	s10 =	sld [smem:$0x3FB9]  }
0x3d: {  	_ =	shalt  }
0x3e: {  	_ =	shalt  }
0x3f: {  	_ =	shalt  }
0x40: {  	_ =	shalt  }
0x41: {  	_ =	shalt  }
0x42: {  	_ =	shalt  }
0x43: {  	_ =	shalt  }
0x44: {  	_ =	shalt  }
0x45: {  	_ =	shalt  }
0x46: {  	_ =	shalt  }
0x47: {  	_ =	shalt  }
0x48: {  	_ =	shalt  }
0x49: {  	_ =	shalt  }
0x4a: {  	_ =	shalt  }
0x4b: {  	_ =	shalt  }
0x4c: {  	_ =	shalt  }
0x4d: {  	_ =	shalt  }
0x4e: {  	_ =	shalt  }
0x4f: {  	_ =	shalt  }
0x50: {  	_ =	shalt  }
0x51: {  	_ =	shalt  }
0x52: {  	_ =	shalt  }
0x53: {  	_ =	shalt  }
0x54: {  	_ =	shalt  }
0x55: {  	_ =	shalt  }
0x56: {  	_ =	shalt  }
0x57: {  	_ =	shalt  }
0x58: {  	_ =	shalt  }
0x59: {  	_ =	shalt  }
0x5a: {  	_ =	shalt  }
0x5b: {  	_ =	shalt  }
0x5c: {  	_ =	shalt  }
0x5d: {  	_ =	shalt  }
0x5e: {  	_ =	shalt  }
0x5f: {  	_ =	shalt  }
0x60: {  	_ =	shalt  }
0x61: {  	_ =	shalt  }
0x62: {  	_ =	shalt  }
0x63: {  	_ =	shalt  }
0x64: {  	_ =	shalt  }
0x65: {  	_ =	shalt  }
0x66: {  	_ =	shalt  }
0x67: {  	_ =	shalt  }
0x68: {  	_ =	shalt  }
0x69: {  	_ =	shalt  }
0x6a: {  	_ =	shalt  }
0x6b: {  	_ =	shalt  }
0x6c: {  	_ =	shalt  }
0x6d: {  	_ =	shalt  }
0x6e: {  	_ =	shalt  }
0x6f: {  	_ =	shalt  }
0x70: {  	_ =	shalt  }
0x71: {  	_ =	shalt  }
0x72: {  	_ =	shalt  }
0x73: {  	_ =	shalt  }
0x74: {  	_ =	shalt  }
0x75: {  	_ =	shalt  }
0x76: {  	_ =	shalt  }
0x77: {  	_ =	shalt  }
0x78: {  	_ =	shalt  }
0x79: {  	_ =	shalt  }
0x7a: {  	_ =	shalt  }
0x7b: {  	_ =	shalt  }
0x7c: {  	_ =	shalt  }
0x7d: {  	_ =	shalt  }
0x7e: {  	_ =	shalt  }
0x7f: {  	_ =	shalt  }
0x80: {  	_ =	shalt  }
0x81: {  	_ =	shalt  }
0x82: {  	_ =	shalt  }
0x83: {  	_ =	shalt  }
0x84: {  	_ =	shalt  }
0x85: {  	_ =	shalt  }
0x86: {  	_ =	shalt  }
0x87: {  	_ =	shalt  }
.Lfunc_end0:
.L_simem_size_0:
called_computation_lowered:
.L_overlay_start_0:
0x88: {  	s2 =	sld [smem:$0x3FD9]  }
0x89: {  	s3 =	sld [smem:$0x3FFE];
	_ =	sdelay $0x1  }
0x8a: {  	s1 =	srdreg.scid  }
0x8b: {  	s0 =	sand.u32 $0x1, s1  }
0x8c: {  	s17 =	sshll.u32 s0, $0xA;
	s2 =	sadd.s32 s3, s2  }
0x8d: {  	s2 =	sadd.s32 s2, s17  }
0x8e: {  	[smem:$0x3FC5] =	sst s2  }
0x8f: {  	_ = 	snop  }
0x90: {  	s2 =	sld [smem:$0x3FC9]  }
0x91: {  	s18 =	sld [smem:$0x3FD0];
	(tm) =	ssettm $0x1  }
0x92: {  	s4 =	sld [smem:$0x3FFB];
	_ =	sdelay $0x3  }
0x93: {  	_ =	strace s4  }
0x94: {  	s4 =	sld [smem:$0x3FFC];
	_ =	sdelay $0x3  }
0x95: {  	_ =	strace s4  }
0x96: {  	s4 =	sld [smem:$0x3FFD];
	_ =	sdelay $0x3  }
0x97: {  	_ =	strace s4  }
0x98: {  	_ =	strace $0x8FFFFFFF  }
0x99: {  	s19 =	sld [smem:$0x3FDB];
	_ =	sdelay $0x1  }
0x9a: {  	s5 =	simm.s32 $_scs_section_size  }
0x9b: {  	s6 =	simm.s32 $_size__tile_overlayer_lowered;
	s7 =	simm.s32 $_tile_overlayer_lowered  }
0x9c: {  	s22 =	simm.s32 $0x1BFF;
	s21 =	sshll.u32 s7, $0x1;
	s4 =	sadd.s32 s5, s19  }
0x9d: {  	s8 =	simm.s32 $0x0;
	s20 =	sshll.u32 s6, $0x1;
	s6 =	sadd.s32 s21, s4  }
0x9e: {  	[timem:s8], [sflag:s22] =	dma.local [hbm:s6], s20  }
0x9f: {  	_ =	swait.ge [sflag:s22], s20  }
0xa0: {  	s5 =	ssub.s32 $0x0, s20;
	[sflag:s22] =	ssyncset.done $0x0  }
0xa1: {  	[sflag:s22] =	ssyncadd.s32 s5;
	_ =	sdelay $0x1  }
0xa2: {  	s23 =	simm.s32 $0x1B8B  }
0xa3: {  	_ =	swait.ge [sflag:s23], $0x1  }
0xa4: {  	[sflag:s23] =	ssyncset.done $0x0  }
0xa5: {  	s25 =	simm.s32 $0x1B8E;
	s24 =	sld [smem:$0x3FFE];
	[sflag:s23] =	ssyncadd.s32 $0xFFFFFFFF  }
0xa6: {  	s26 =	simm.s32 $execute0_lowered;
	[smem:$0x3FD2] =	sst s25  }
0xa7: {  	s6 =	sshll.u32 s26, $0x1;
	_ =	strace $0x80000046;
	[dreg:$0x1] =	wrdreg $0xFFFFFFFF  }
0xa8: {  	s28 =	simm.s32 $_size_execute0_lowered;
	s4 =	sadd.s32 s4, s6;
	[dreg:$0x0] =	wrdreg $0x0  }
0xa9: {  	s6 =	sshll.u32 s28, $0x1;
	[dreg:$0x2] =	wrdreg s4  }
0xaa: {  	[dreg:$0x3] =	wrdreg s6  }
0xab: {  	[dreg:$0x4] =	wrdreg $0xC0  }
0xac: {  	_ =	task [dreg:s8], $0x5FFFF  }
0xad: {  	[dreg:$0x1] =	wrdreg $0xFFFFFFFF  }
0xae: {  	[dreg:$0x0] =	wrdreg $0x60  }
0xaf: {  	[dreg:$0x2] =	wrdreg s2  }
0xb0: {  	[dreg:$0x3] =	wrdreg s24  }
0xb1: {  	[dreg:$0x4] =	wrdreg s18  }
0xb2: {  	[dreg:$0x5] =	wrdreg $0x9  }
0xb3: {  	_ =	task.clear_ibuf [dreg:s8], $0x6FFFF;
	_ =	strace $0x90000046  }
0xb4: {  	s29 =	simm.s32 $0x9;
	_ =	strace $0x80000048  }
0xb5: {  	_ =	swait.ge [sflag:s29], $0x1  }
0xb6: {  	[sflag:s29] =	ssyncadd.s32 $0xFFFFFFFF  }
0xb7: {  	_ =	strace $0x90000048  }
0xb8: {  	_ =	sfence  }
0xb9: {  	s30 =	sld [smem:$0x0];
	_ =	sdelay $0x2  }
0xba: {  	s31 =	sshll.u32 s1, $0xD;
	s1 =	sshrl.u32 s1, $0x2  }
0xbb: {  	s3 =	sand.u32 $0x4000, s31;
	s1 =	sadd.s32 s1, s30  }
0xbc: {  	s0 =	sor.u32 s3, s0;
	s1 =	sshll.u32 s1, $0x11  }
0xbd: {  	s0 =	sor.u32 s1, s0  }
0xbe: {  	s0 =	sadd.s32 $0x8F2B, s0  }
0xbf: {  	[sflag:s0] =	ssyncadd.remote.s32 $0x1  }
0xc0: {  	_ =	sfence.sel $0xFFFF  }
0xc1: {  	[dreg:$0x0] =	wrdreg $0xFFFFFFFF;
	(pc) =	sbr.abs _section_cstart, $3  }
0xc2: {  	[dreg:$0x1] =	wrdreg $0xFFFFFFFF  }
0xc3: {  	_ =	task.clear_ibuf [dreg:s8], $0x2FFFF;
	_ =	strace $0x9FFFFFFF  }
0xc4: {  	(tm) =	ssettm $0x7FFFFFFF  }
0xc5: {  	_ =	shalt  }
tec
execute0_lowered:
.L_overlay_start_1:
0x0: {  	(tag) =	ssettag $0x1  }
0x1: {  	s1 =	rddreg [dreg:$0x0]  }
0x2: {  	s0 =	rddreg [dreg:$0x1];
	s2 =	srdreg.scid  }
0x3: {  	s3 =	rddreg [dreg:$0x2];
	s6 =	stileid.u32  }
0x4: {  	s4 =	simm.s32 $0x0;
	s9 =	simm.s32 $0xB;
	s11 =	simm.s32 $0x50  }
0x5: {  	s12 =	simm.s32 $0x2000;
	s14 =	simm.s32 $0x4800;
	s16 =	simm.s32 $0x7000  }
0x6: {  	s18 =	simm.s32 $0x9800;
	s20 =	simm.s32 $0xC000;
	s21 =	simm.s32 $0x1  }
0x7: {  	s22 =	simm.s32 $0x2;
	s23 =	simm.s32 $0x3;
	s24 =	simm.s32 $0x4  }
0x8: {  	s25 =	simm.s32 $0x5;
	s28 =	simm.s32 $0x7;
	s2 =	sand.u32 $0x1, s2  }
0x9: {  	s29 =	simm.s32 $0x8;
	s5 =	sshll.u32 s2, $0x4;
	s2 =	ssub.s32 $0x2, s2  }
0xa: {  	s30 =	simm.s32 $0x9;
	s5 =	sor.u32 s6, s5;
	s7 =	sshrl.u32 s2, $0x1  }
0xb: {  	s31 =	simm.s32 $0xA;
	s6 =	sshll.u32 s5, $0x9;
	s2 =	ssub.s32 s2, s7  }
0xc: {  	[smem:$0x7FF] =	sst s4;
	s0 =	sadd.s32 s6, s0;
	s26 =	smax.u32 s2, $0x1  }
0xd: {  	_ =	strace $0x80000047;
	s6 =	sadd.s32 $0x400, s0;
	[dreg:$0x6] =	wrdreg s26  }
0xe: {  	s5 =	smul.u32 $0x7D0, s5;
	s0 =	sadd.s32 $0x4400, s0;
	[dreg:$0x4] =	wrdreg s6  }
0xf: {  	s26 =	simm.s32 $0x6;
	[dreg:$0x5] =	wrdreg s0;
	s0 =	simm.s32 $0x0  }
.LBB2_1:
0x10: {  	s2 =	rddreg [dreg:$0x4]  }
0x11: {  	[tilespmem:s4], [sflag:$0xB] =	stream.linear.gather [hbm4b:s2+s4], $0xC80, $0x38;
	[tilespmem:$0xE800] =	vst v63  }
0x12: {  	_ =	swait.ge [sflag:s9], $0xC80  }
0x13: {  	[sflag:s9] =	ssyncset.done $0x0  }
0x14: {  	s6 =	simm.s32 $0x1000;
	s10 =	rddreg [dreg:$0x5];
	[sflag:s9] =	ssyncadd.s32 $0xFFFFF380  }
0x15: {  	[tilespmem:s6], [sflag:$0xB] =	stream.linear.gather [hbm4b:s10+s4], $0xC80, $0x38;
	[tilespmem:$0xE800] =	vst v63  }
0x16: {  	_ =	swait.ge [sflag:s9], $0xC80  }
0x17: {  	[sflag:s9] =	ssyncset.done $0x0  }
0x18: {  	[sflag:s9] =	ssyncadd.s32 $0xFFFFF380  }
0x19: {  	[tilespmem:s12], [sflag:$0x1] =	stream.indirect.gather [hbm4b:s1+s11], $0x80, s4, s11, $0xb8;
	[tilespmem:$0xE800] =	vst v63  }
0x1a: {  	s13 =	simm.s32 $0x80  }
0x1b: {  	[tilespmem:s14], [sflag:$0x2] =	stream.indirect.gather [hbm4b:s1+s11], $0x80, s13, s11, $0xb8;
	[tilespmem:$0xE800] =	vst v63  }
0x1c: {  	s15 =	simm.s32 $0x100  }
0x1d: {  	[tilespmem:s16], [sflag:$0x3] =	stream.indirect.gather [hbm4b:s1+s11], $0x80, s15, s11, $0xb8;
	[tilespmem:$0xE800] =	vst v63  }
0x1e: {  	s17 =	simm.s32 $0x180  }
0x1f: {  	[tilespmem:s18], [sflag:$0x4] =	stream.indirect.gather [hbm4b:s1+s11], $0x80, s17, s11, $0xb8;
	[tilespmem:$0xE800] =	vst v63  }
0x20: {  	s19 =	simm.s32 $0x200;
	s2 =	simm.s32 $0x0;
	s10 =	simm.s32 $0x0  }
0x21: {  	[tilespmem:s20], [sflag:$0x5] =	stream.indirect.gather [hbm4b:s1+s11], $0x80, s19, s11, $0xb8;
	[tilespmem:$0xE800] =	vst v63  }
.LBB2_2:
0x22: {  	s13 =	sadd.s32 $0xFFFFFFE7, s2;
	p1 =	slt.u32 s10, $0x5  }
0x23: {  	s13 =	smov.u32 @p1 s2  }
0x24: {  	s15 =	simm.s32 $0x1;
	s13 =	smul.u32 $0x50, s13  }
0x25: {  	p0 =	sgt.u32 s10, $0x4;
	s17 =	simm.s32 $0x7D0000;
	s15 =	simm.s32 @!p1 $0xFFFFFFE8  }
0x26: {  	_ =	swait.ge [sflag:s21], $0x2800;
	s15 =	sadd.s32 s2, s15;
	s13 =	sadd.s32 s5, s13  }
0x27: {  	s17 =	simm.s32 @!p0 $0x4;
	s15 =	smul.u32 $0x50, s15;
	s13 =	sshll.u32 s13, $0x7  }
0x28: {  	[sflag:s21] =	ssyncset.done $0x0;
	s13 =	sadd.s32 s17, s13  }
0x29: {  	s8 =	sadd.s32 s5, s15;
	s15 =	simm.s32 $0x2;
	s13 =	sshrl.u32 s13, $0x3  }
0x2a: {  	[sflag:s21] =	ssyncadd.s32 $0xFFFFD800;
	s15 =	simm.s32 @!p1 $0xFFFFFFE9;
	s13 =	sadd.s32 s3, s13  }
0x2b: {  	[hbm4b:s13+s4] =	stream.linear.scatter [tilespmem:s12], [sflag:$0x6], $0x2800, $0x38;
	[tilespmem:$0xE800] =	vst v63  }
0x2c: {  	s15 =	sadd.s32 s2, s15;
	s13 =	sshll.u32 s8, $0x7  }
0x2d: {  	s15 =	smul.u32 $0x50, s15;
	_ =	swait.ge [sflag:s22], $0x2800;
	s13 =	sadd.s32 s17, s13  }
0x2e: {  	[sflag:s22] =	ssyncset.done $0x0;
	s13 =	sshrl.u32 s13, $0x3  }
0x2f: {  	s15 =	sadd.s32 s5, s15;
	[sflag:s22] =	ssyncadd.s32 $0xFFFFD800;
	s13 =	sadd.s32 s3, s13  }
0x30: {  	[hbm4b:s13+s4] =	stream.linear.scatter [tilespmem:s14], [sflag:$0x7], $0x2800, $0x38;
	[tilespmem:$0xE800] =	vst v63  }
0x31: {  	s13 =	sshll.u32 s15, $0x7;
	s15 =	simm.s32 $0x3  }
0x32: {  	_ =	swait.ge [sflag:s23], $0x2800;
	s13 =	sadd.s32 s17, s13;
	s15 =	simm.s32 @!p1 $0xFFFFFFEA  }
0x33: {  	[sflag:s23] =	ssyncset.done $0x0;
	s13 =	sshrl.u32 s13, $0x3;
	s15 =	sadd.s32 s2, s15  }
0x34: {  	[sflag:s23] =	ssyncadd.s32 $0xFFFFD800;
	s13 =	sadd.s32 s3, s13;
	s15 =	smul.u32 $0x50, s15  }
0x35: {  	[hbm4b:s13+s4] =	stream.linear.scatter [tilespmem:s16], [sflag:$0x8], $0x2800, $0x38;
	[tilespmem:$0xE800] =	vst v63  }
0x36: {  	_ =	swait.ge [sflag:s24], $0x2800;
	s19 =	sadd.s32 s5, s15;
	s15 =	simm.s32 $0xFFFFFFEB  }
0x37: {  	[sflag:s24] =	ssyncset.done $0x0;
	s13 =	sshll.u32 s19, $0x7;
	s15 =	simm.s32 @!p0 $0x4  }
0x38: {  	p0 =	seq.s32 s2, $0x2D;
	s13 =	sadd.s32 s17, s13;
	s15 =	sadd.s32 s2, s15  }
0x39: {  	s19 =	sshrl.u32 s13, $0x3;
	s6 =	smul.u32 $0x50, s15;
	s13 =	sadd.s32 @!p0 $0x1, s10  }
0x3a: {  	[sflag:s24] =	ssyncadd.s32 $0xFFFFD800;
	s19 =	sadd.s32 s3, s19;
	s15 =	smul.u32 @!p0 $0x5, s13  }
0x3b: {  	[hbm4b:s19+s4] =	stream.linear.scatter [tilespmem:s18], [sflag:$0x9], $0x2800, $0x38;
	[tilespmem:$0xE800] =	vst v63  }
0x3c: {  	s6 =	sadd.s32 s5, s6;
	s19 =	sand.u32 @!p0 $0xFF, s15  }
0x3d: {  	p1 =	sgt.u32 @!p0 s10, $0x3;
	s6 =	sshll.u32 s6, $0x7;
	s19 =	smul.u32 @!p0 $0x29, s19  }
0x3e: {  	s10 =	simm.s32 @!p0 $0x1000;
	_ =	swait.ge [sflag:s25], $0x2800;
	s6 =	sadd.s32 s17, s6  }
0x3f: {  	[sflag:s25] =	ssyncset.done $0x0;
	s6 =	sshrl.u32 s6, $0x3;
	s17 =	sshrl.u32 @!p0 s19, $0xA  }
0x40: {  	[sflag:s25] =	ssyncadd.s32 $0xFFFFD800;
	s6 =	sadd.s32 s3, s6;
	s17 =	smul.u32 @!p0 $0x19, s17  }
0x41: {  	[hbm4b:s6+s4] =	stream.linear.scatter [tilespmem:s20], [sflag:$0xA], $0x2800, $0x38;
	[tilespmem:$0xE800] =	vst v63  }
0x42: {  	p1 =	por !p1, p0;
	s6 =	ssub.s32 @!p0 s15, s17;
	s17 =	simm.s32 @!p0 $0x6  }
0x43: {  	s7 =	simm.s32 @!p0 $0x2000;
	s10 =	simm.s32 @p1 $0x0;
	_ =	swait.ge @!p0 [sflag:s17], $0x2800  }
0x44: {  	s19 =	sadd.s32 @!p0 $0x1, s15;
	s6 =	sand.u32 @!p0 $0xFF, s6;
	[sflag:s17] =	ssyncset.done @!p0 $0x0  }
0x45: {  	s6 =	sshll.u32 @!p0 s6, $0x7;
	[sflag:s17] =	ssyncadd.s32 @!p0 $0xFFFFD800;
	s17 =	sand.u32 @!p0 $0xFF, s19  }
0x46: {  	s6 =	sor.u32 @!p0 s6, s10;
	s10 =	simm.s32 @!p0 $0x50;
	s17 =	smul.u32 @!p0 $0x29, s17  }
0x47: {  	[tilespmem:s7], [sflag:$0x1] =	stream.indirect.gather @!p0 [hbm4b:s1+s10], $0x80, s6, s10, $0xb8;
	[tilespmem:$0xE800] =	vst v63  }
0x48: {  	s6 =	sshrl.u32 @!p0 s17, $0xA  }
0x49: {  	s17 =	simm.s32 @!p0 $0x7;
	s7 =	smul.u32 @!p0 $0x19, s6  }
0x4a: {  	_ =	swait.ge @!p0 [sflag:s17], $0x2800  }
0x4b: {  	[sflag:s17] =	ssyncset.done @!p0 $0x0;
	s7 =	ssub.s32 @!p0 s19, s7  }
0x4c: {  	[sflag:s17] =	ssyncadd.s32 @!p0 $0xFFFFD800;
	s17 =	sadd.s32 @!p0 $0x2, s15;
	s7 =	sand.u32 @!p0 $0xFF, s7  }
0x4d: {  	s6 =	sshll.u32 @!p0 s6, $0xC;
	s19 =	sand.u32 @!p0 $0xFF, s17;
	s7 =	sshll.u32 @!p0 s7, $0x7  }
0x4e: {  	s19 =	smul.u32 @!p0 $0x29, s19;
	s6 =	sor.u32 @!p0 s7, s6;
	s7 =	simm.s32 @!p0 $0x4800  }
0x4f: {  	[tilespmem:s7], [sflag:$0x2] =	stream.indirect.gather @!p0 [hbm4b:s1+s10], $0x80, s6, s10, $0xb8;
	[tilespmem:$0xE800] =	vst v63  }
0x50: {  	s6 =	sshrl.u32 @!p0 s19, $0xA  }
0x51: {  	s7 =	smul.u32 @!p0 $0x19, s6  }
0x52: {  	s19 =	simm.s32 @!p0 $0x8  }
0x53: {  	_ =	swait.ge @!p0 [sflag:s19], $0x2800;
	s6 =	sshll.u32 @!p0 s6, $0xC;
	s7 =	ssub.s32 @!p0 s17, s7  }
0x54: {  	[sflag:s19] =	ssyncset.done @!p0 $0x0;
	s17 =	sadd.s32 @!p0 $0x3, s15;
	s7 =	sand.u32 @!p0 $0xFF, s7  }
0x55: {  	[sflag:s19] =	ssyncadd.s32 @!p0 $0xFFFFD800;
	s19 =	sand.u32 @!p0 $0xFF, s17;
	s7 =	sshll.u32 @!p0 s7, $0x7  }
0x56: {  	s19 =	smul.u32 @!p0 $0x29, s19;
	s6 =	sor.u32 @!p0 s7, s6;
	s7 =	simm.s32 @!p0 $0x7000  }
0x57: {  	[tilespmem:s7], [sflag:$0x3] =	stream.indirect.gather @!p0 [hbm4b:s1+s10], $0x80, s6, s10, $0xb8;
	[tilespmem:$0xE800] =	vst v63  }
0x58: {  	s15 =	sadd.s32 @!p0 $0x4, s15;
	s6 =	sshrl.u32 @!p0 s19, $0xA  }
0x59: {  	s8 =	sand.u32 @!p0 $0xFF, s15;
	s7 =	smul.u32 @!p0 $0x19, s6  }
0x5a: {  	s8 =	smul.u32 @!p0 $0x29, s8;
	s19 =	simm.s32 @!p0 $0x9  }
0x5b: {  	_ =	swait.ge @!p0 [sflag:s19], $0x2800;
	s7 =	ssub.s32 @!p0 s17, s7  }
0x5c: {  	s8 =	sshrl.u32 @!p0 s8, $0xA;
	[sflag:s19] =	ssyncset.done @!p0 $0x0;
	s7 =	sand.u32 @!p0 $0xFF, s7  }
0x5d: {  	s6 =	sshll.u32 @!p0 s6, $0xC;
	[sflag:s19] =	ssyncadd.s32 @!p0 $0xFFFFD800;
	s7 =	sshll.u32 @!p0 s7, $0x7  }
0x5e: {  	s17 =	smul.u32 @!p0 $0x19, s8;
	s6 =	sor.u32 @!p0 s7, s6;
	s7 =	simm.s32 @!p0 $0x9800  }
0x5f: {  	[tilespmem:s7], [sflag:$0x4] =	stream.indirect.gather @!p0 [hbm4b:s1+s10], $0x80, s6, s10, $0xb8;
	[tilespmem:$0xE800] =	vst v63  }
0x60: {  	s2 =	sadd.s32 @!p0 $0x5, s2;
	s6 =	ssub.s32 @!p0 s15, s17;
	s7 =	simm.s32 @!p0 $0xA  }
0x61: {  	p1 =	sne.s32 @!p0 s2, $0x32;
	s6 =	sand.u32 @!p0 $0xFF, s6;
	_ =	swait.ge @!p0 [sflag:s7], $0x2800  }
0x62: {  	s8 =	sshll.u32 @!p0 s8, $0xC;
	[sflag:s7] =	ssyncset.done @!p0 $0x0;
	s6 =	sshll.u32 @!p0 s6, $0x7  }
0x63: {  	[sflag:s7] =	ssyncadd.s32 @!p0 $0xFFFFD800;
	s6 =	sor.u32 @!p0 s6, s8;
	s7 =	simm.s32 @!p0 $0xC000  }
0x64: {  	[tilespmem:s7], [sflag:$0x5] =	stream.indirect.gather @!p0 [hbm4b:s1+s10], $0x80, s6, s10, $0xb8;
	[tilespmem:$0xE800] =	vst v63  }
0x65: {  	p0 =	por p0, !p1  }
.Ltmp0:
0x66: {  	_ = 	snop;
	(pc) =	sbr.rel @!p0 .LBB2_2-.Ltmp0, $2  }
0x67: {  	_ =	sdelay $0x2  }
0x68: {  	s10 =	smov.u32 s13  }
0x69: {  	_ =	swait.ge [sflag:s26], $0x2800  }
0x6a: {  	[sflag:s26] =	ssyncset.done $0x0  }
0x6b: {  	[sflag:s26] =	ssyncadd.s32 $0xFFFFD800  }
0x6c: {  	_ =	swait.ge [sflag:s28], $0x2800  }
0x6d: {  	[sflag:s28] =	ssyncset.done $0x0  }
0x6e: {  	[sflag:s28] =	ssyncadd.s32 $0xFFFFD800  }
0x6f: {  	_ =	swait.ge [sflag:s29], $0x2800  }
0x70: {  	[sflag:s29] =	ssyncset.done $0x0  }
0x71: {  	[sflag:s29] =	ssyncadd.s32 $0xFFFFD800  }
0x72: {  	_ =	swait.ge [sflag:s30], $0x2800  }
0x73: {  	[sflag:s30] =	ssyncset.done $0x0  }
0x74: {  	[sflag:s30] =	ssyncadd.s32 $0xFFFFD800  }
0x75: {  	_ =	swait.ge [sflag:s31], $0x2800  }
0x76: {  	s0 =	sadd.s32 $0x1, s0;
	s2 =	rddreg [dreg:$0x6]  }
0x77: {  	p0 =	sne.s32 s0, s2  }
.Ltmp1:
0x78: {  	_ = 	snop;
	(pc) =	sbr.rel @p0 .LBB2_1-.Ltmp1, $3  }
0x79: {  	_ =	sdelay $0x1  }
0x7a: {  	[sflag:s31] =	ssyncset.done $0x0  }
0x7b: {  	[sflag:s31] =	ssyncadd.s32 $0xFFFFD800  }
0x7c: {  	_ =	sfence.sel $0x180000  }
0x7d: {  	[bflag:$0x0] =	sbarrier.arrive $0xFFFF  }
0x7e: {  	_ =	strace $0x90000047  }
0x7f: {  	s0 =	stileid.u32;
	[bflag:$0x2] =	sbarrier.arrive $0xFFFF  }
0x80: {  	p0 =	sne.s32 s0, $0x0;
	s0 =	rddreg [dreg:$0x3]  }
0x81: {  	s0 =	sadd.s32 @!p0 $0x100000, s0  }
0x82: {  	[sflag:s0] =	ssyncadd.tile.s32 @!p0 $0x1;
	_ =	shalt  }
.Lfunc_end2:
_tile_overlayer_lowered:
.L_overlay_start_2:
0x83: {  	(tag) =	ssettag $0x2  }
0x84: {  	s0 =	rddreg [dreg:$0x0];
	s2 =	stileid.u32  }
0x85: {  	s1 =	rddreg [dreg:$0x1];
	p0 =	sne.s32 s2, $0x0  }
0x86: {  	s3 =	rddreg [dreg:$0x2];
	[bflag:$0x3] =	sbarrier.arrive $0xFFFF;
	s2 =	simm.s32 @!p0 $0x1C0B  }
0x87: {  	[timem:s3], [sflag:s2] =	dma.local @!p0 [hbm:s0], s1  }
0x88: {  	s0 =	simm.s32 @!p0 $0xB  }
0x89: {  	_ =	swait.ge @!p0 [sflag:s0], s1  }
0x8a: {  	s1 =	ssub.s32 @!p0 $0x0, s1;
	[sflag:s0] =	ssyncset.done @!p0 $0x0  }
0x8b: {  	[sflag:s0] =	ssyncadd.s32 @!p0 s1  }
0x8c: {  	[bflag:$0x3] =	sbarrier.arrive $0xFFFF  }
0x8d: {  	_ =	shalt  }

</sc_bundles>
